<compile_context>
chip_gen: v7x
topology: tpu7x:2x2x1
jax: 0.10.2.dev20260603
libtpu: 0.0.44.dev20260713+nightly
codegen_flags: <defaults>
</compile_context>

<pallas_src>
import jax
import jax.numpy as jnp
from jax import lax
from jax.experimental import pallas as pl
from jax.experimental.pallas import tpu as pltpu
from jax.experimental.pallas import tpu_sc as plsc

B = 32
LH = 144
S = 128
LANES = 16
HALF = LH // 2
NCH = S // LANES
NF = 10
LN2 = 0.6931471805599453


def _ln(x):
    i = lax.bitcast_convert_type(x, jnp.int32)
    e = (i >> 23) - 127
    m = lax.bitcast_convert_type((i & 0x007FFFFF) | 0x3F800000, jnp.float32)
    t = (m - 1.0) / (m + 1.0)
    t2 = t * t
    ln_m = t * (2.0 + t2 * (2.0 / 3.0 + t2 * (2.0 / 5.0 + t2 * (2.0 / 7.0))))
    return ln_m + e.astype(jnp.float32) * LN2


def _sqrt_v(v):
    i = lax.bitcast_convert_type(v, jnp.int32)
    y = lax.bitcast_convert_type((i >> 1) + 0x1FBD1DF5, jnp.float32)
    for _ in range(3):
        y = 0.5 * (y + v / y)
    return y


def _chunk(ref, i):
    return ref[pl.ds(pl.multiple_of(i * LANES, LANES), LANES)]


def _sc_body(table_hbm, idx_hbm, out_hbm, idx1_v, idx_v, rows_v, avg_v, out_v, sem):
    c = lax.axis_index("c")
    s = lax.axis_index("s")
    w = c * (B // 2) + s

    pltpu.sync_copy(idx_hbm, idx1_v)
    iv = idx1_v[...]
    lane = lax.iota(jnp.int32, LANES)
    base = w * (LH * S)

    def build(k, _):
        off = pl.multiple_of(k * LANES, LANES)
        idx_v[pl.ds(off, LANES)] = (lane + off) * S + base + iv
        return 0
    lax.fori_loop(0, LH // LANES, build, 0)

    cp0 = pltpu.async_copy(
        table_hbm.at[idx_v.at[pl.ds(0, HALF)]], rows_v.at[pl.ds(0, HALF)], sem)
    cp1 = pltpu.async_copy(
        table_hbm.at[idx_v.at[pl.ds(HALF, HALF)]], rows_v.at[pl.ds(HALF, HALF)], sem)

    def accum(j, accs):
        j2 = j * 2
        accs = tuple(
            acc + rows_v[j2, pl.ds(ch * LANES, LANES)]
            for ch, acc in enumerate(accs)
        )
        return tuple(
            acc + rows_v[j2 + 1, pl.ds(ch * LANES, LANES)]
            for ch, acc in enumerate(accs)
        )

    zeros = tuple(jnp.zeros((LANES,), jnp.float32) for _ in range(NCH))
    cp0.wait()
    accs = lax.fori_loop(0, HALF // 2, accum, zeros)
    cp1.wait()
    accs = lax.fori_loop(HALF // 2, LH // 2, accum, accs)

    total = jnp.zeros((LANES,), jnp.float32)
    for ch, acc in enumerate(accs):
        t = acc * (1.0 / LH)
        avg_v[pl.ds(ch * LANES, LANES)] = t
        total = total + t
    mean = jnp.sum(total) * (1.0 / S)

    def moments(i, carry):
        ent_a, s2, s3 = carry
        t = _chunk(avg_v, i)
        d = t - mean
        d2 = d * d
        return (ent_a + t * _ln(t + 1e-10), s2 + d2, s3 + d2 * d)

    z = jnp.zeros((LANES,), jnp.float32)
    ent_a, s2, s3 = lax.fori_loop(0, NCH, moments, (z, z, z))
    ent = -jnp.sum(ent_a)
    var = jnp.sum(s2) * (1.0 / (S - 1))
    std_v = _sqrt_v(var * jnp.ones((LANES,), jnp.float32))
    skew_v = (jnp.sum(s3) * (1.0 / S) * jnp.ones((LANES,), jnp.float32)) / (
        std_v * std_v * std_v + 1e-10)

    def round5(r, out):
        def vmax(i, m):
            return jnp.maximum(m, _chunk(avg_v, i))
        m = jnp.max(lax.fori_loop(0, NCH, vmax, jnp.full((LANES,), -1.0, jnp.float32)))

        def mask(i, _):
            off = pl.multiple_of(i * LANES, LANES)
            ch = avg_v[pl.ds(off, LANES)]
            avg_v[pl.ds(off, LANES)] = jnp.where(ch == m, -1.0, ch)
            return 0
        lax.fori_loop(0, NCH, mask, 0)
        out = jnp.where(lane == r, m, out)
        return jnp.where((r == 0) & (lane == 6), m, out)

    out = lax.fori_loop(0, 5, round5, jnp.zeros((LANES,), jnp.float32))
    out = jnp.where(lane == 5, ent, out)
    out = jnp.where(lane == 7, mean, out)
    out = jnp.where(lane == 8, var, out)
    out = jnp.where(lane == 9, skew_v, out)
    out_v[...] = out

    pltpu.sync_copy(out_v, out_hbm.at[w])


def kernel(attention_weights, target_stock_idx):
    idx1 = jnp.broadcast_to(jnp.asarray(target_stock_idx, jnp.int32), (LANES,))
    table = attention_weights.reshape(B * LH * S, S)

    mesh = plsc.VectorSubcoreMesh(core_axis_name="c", subcore_axis_name="s")
    out = pl.kernel(
        _sc_body,
        out_type=jax.ShapeDtypeStruct((B, LANES), jnp.float32),
        mesh=mesh,
        compiler_params=pltpu.CompilerParams(needs_layout_passes=False),
        scratch_types=[
            pltpu.VMEM((LANES,), jnp.int32),
            pltpu.VMEM((LH,), jnp.int32),
            pltpu.VMEM((LH, S), jnp.float32),
            pltpu.VMEM((S,), jnp.float32),
            pltpu.VMEM((LANES,), jnp.float32),
            pltpu.SemaphoreType.DMA,
        ],
    )(table, idx1)
    return out[:, :NF]

# --- scband reference (transcript-rebuilt; emitter-appended) ---
"""Pipeline reference for scband-simple-attention-extractor-3255585211080 (READ-ONLY COPY).

The authoritative reference and input builder live on the scoring server;
editing this copy changes nothing except your own understanding.
"""

import jax, jax.numpy as jnp
import numpy as np


def setup_inputs(seed: int = 0) -> dict:
    key = jax.random.key(seed)
    attention_weights = jax.random.uniform(key, (32, 12, 12, 128, 128), dtype=jnp.float32)
    return {"attention_weights": attention_weights, "target_stock_idx": 7}


def reference(attention_weights, target_stock_idx):
    # attention_weights: [batch, num_layers, num_heads, num_sensors, num_sensors]
    avg_attn = attention_weights.mean(axis=(1, 2))          # [batch, S, S]
    target_attn = avg_attn[:, target_stock_idx, :]           # [batch, S]
    top5_weights, _ = jax.lax.top_k(target_attn, 5)          # [batch, 5]
    entropy = -(target_attn * jnp.log(target_attn + 1e-10)).sum(axis=-1, keepdims=True)
    max_weight = jnp.max(target_attn, axis=-1, keepdims=True)
    mean_weight = jnp.mean(target_attn, axis=-1, keepdims=True)
    var_weight = jnp.var(target_attn, axis=-1, keepdims=True, ddof=1)   # torch.var unbiased=True
    std = jnp.std(target_attn, axis=-1, keepdims=True, ddof=1)          # torch.std unbiased=True
    skew = jnp.mean((target_attn - mean_weight) ** 3, axis=-1, keepdims=True) / (std ** 3 + 1e-10)
    features = jnp.concatenate([top5_weights, entropy, max_weight, mean_weight, var_weight, skew], axis=-1)
    return features

if __name__ == "__main__":
    import jax
    _d = setup_inputs()
    print(jax.jit(kernel)(*tuple(_d.values())))

</pallas_src>

<mosaic_0001>
#map = affine_map<(d0, d1) -> (0, 0)>
#map1 = affine_map<(d0, d1) -> (0)>
module attributes {stable_mosaic.version = 14 : i64} {
  func.func @_sc_body(%arg0: i32, %arg1: i32, %arg2: memref<589824x128xf32, #tpu.memory_space<hbm>>, %arg3: memref<16xi32, #tpu.memory_space<hbm>>, %arg4: memref<32x16xf32, #tpu.memory_space<hbm>>, %arg5: memref<16xi32, #tpu.memory_space<vmem>>, %arg6: memref<144xi32, #tpu.memory_space<vmem>>, %arg7: memref<144x128xf32, #tpu.memory_space<vmem>>, %arg8: memref<128xf32, #tpu.memory_space<vmem>>, %arg9: memref<16xf32, #tpu.memory_space<vmem>>, %arg10: memref<!tpu.dma_semaphore, #tpu.memory_space<semaphore_mem>>) attributes {dimension_semantics = [#tpu.dimension_semantics<core_parallel>, #tpu.dimension_semantics<subcore_parallel>], iteration_bounds = array<i64: 2, 16>, scalar_prefetch = 0 : i64, scratch_operands = 6 : i64, tpu.core_type = #tpu.core_type<sc_vector_subcore>, window_params = [{transform_indices = #map}, {transform_indices = #map1}, {transform_indices = #map}]} {
    %mul3A = arith.constant 16 : i32
    %mul3A_0 = arith.muli %arg0, %mul3A : i32
    %add3A = arith.addi %mul3A_0, %arg1 : i32
    "tpu.region"() ({
      %run_scoped3A = tpu.sem_alloc : memref<!tpu.dma_semaphore, #tpu.memory_space<semaphore_mem>>
      tpu.enqueue_dma source(%arg3 : memref<16xi32, #tpu.memory_space<hbm>>) target(%arg5 : memref<16xi32, #tpu.memory_space<vmem>>) target_semaphore(%run_scoped3A : memref<!tpu.dma_semaphore, #tpu.memory_space<semaphore_mem>>)
      tpu.wait_dma2 semaphore(%run_scoped3A : memref<!tpu.dma_semaphore, #tpu.memory_space<semaphore_mem>>) src(%arg3 : memref<16xi32, #tpu.memory_space<hbm>>) dst(%arg5 : memref<16xi32, #tpu.memory_space<vmem>>)
      tpu.yield
    }) : () -> ()
    %get3A = arith.constant 0 : index
    %get3A_1 = tpu.vector_load %arg5[%get3A] {strides = array<i32>} : memref<16xi32, #tpu.memory_space<vmem>>, vector<16xi32>,
    %iota3A = tpu.iota {dimensions = array<i32: 0>} : vector<16xi32>
    %mul3A_2 = arith.constant 18432 : i32
    %mul3A_3 = arith.muli %add3A, %mul3A_2 : i32
    %scan3A = arith.constant 0 : i32
    %scan3A_4 = arith.constant 0 : i32
    %scan3A_5 = arith.constant 9 : i32
    %scan3A_6 = arith.addi %scan3A_4, %scan3A_5 : i32
    %scan3A_7 = arith.constant 1 : i32
    %scan3A_8 = scf.for %scan3A_207 = %scan3A_4 to %scan3A_6 step %scan3A_7 iter_args(%scan3A_208 = %scan3A) -> (i32)  : i32 {
      %mul3A_209 = arith.constant 16 : i32
      %mul3A_210 = arith.muli %scan3A_207, %mul3A_209 : i32
      %multiple_of3A = tpu.assume_multiple %mul3A_210, 16 : i32
      %add3A_211 = vector.broadcast %multiple_of3A : i32 to vector<16xi32>
      %add3A_212 = arith.addi %iota3A, %add3A_211 : vector<16xi32>
      %mul3A_213 = arith.constant 128 : i32
      %mul3A_214 = vector.broadcast %mul3A_213 : i32 to vector<16xi32>
      %mul3A_215 = arith.muli %add3A_212, %mul3A_214 : vector<16xi32>
      %add3A_216 = vector.broadcast %mul3A_3 : i32 to vector<16xi32>
      %add3A_217 = arith.addi %mul3A_215, %add3A_216 : vector<16xi32>
      %add3A_218 = arith.addi %add3A_217, %get3A_1 : vector<16xi32>
      %swap3A_219 = arith.index_cast %multiple_of3A : i32 to index
      %swap3A_220 = tpu.vector_load %arg6[%swap3A_219] {strides = array<i32>} : memref<144xi32, #tpu.memory_space<vmem>>, vector<16xi32>,
      tpu.vector_store %arg6[%swap3A_219], %add3A_218 {strides = array<i32>} : memref<144xi32, #tpu.memory_space<vmem>>, vector<16xi32>,
      %scan3A_221 = arith.constant 0 : i32
      scf.yield %scan3A_221 : i32
    }
    %scan3A_9 = arith.constant 9 : i32
    %dma_start3A = arith.constant 0 : i32
    %dma_start3A_10 = arith.constant 0 : i32
    %dma_start3A_11 = tpu.memref_slice %arg7[%dma_start3A, %dma_start3A_10] : memref<144x128xf32, #tpu.memory_space<vmem>> -> memref<72x128xf32, #tpu.memory_space<vmem>>
    %dma_start3A_12 = arith.constant 0 : i32
    %dma_start3A_13 = tpu.memref_slice %arg6[%dma_start3A_12] : memref<144xi32, #tpu.memory_space<vmem>> -> memref<72xi32, #tpu.memory_space<vmem>>
    %dma_start3A_14 = arith.constant 0 : i32
    %dma_start3A_15 = arith.constant 0 : i32
    %dma_start3A_16 = tpu.memref_slice %arg2[%dma_start3A_14, %dma_start3A_15] : memref<589824x128xf32, #tpu.memory_space<hbm>> -> memref<589824x128xf32, #tpu.memory_space<hbm>>
    tpu.enqueue_indirect_dma source(%dma_start3A_16 : memref<589824x128xf32, #tpu.memory_space<hbm>>) target(%dma_start3A_11 : memref<72x128xf32, #tpu.memory_space<vmem>>) offsets(%dma_start3A_13 : memref<72xi32, #tpu.memory_space<vmem>>) semaphore(%arg10 : memref<!tpu.dma_semaphore, #tpu.memory_space<semaphore_mem>>)
    %dma_start3A_17 = arith.constant 72 : i32
    %dma_start3A_18 = arith.constant 0 : i32
    %dma_start3A_19 = tpu.memref_slice %arg7[%dma_start3A_17, %dma_start3A_18] : memref<144x128xf32, #tpu.memory_space<vmem>> -> memref<72x128xf32, #tpu.memory_space<vmem>>
    %dma_start3A_20 = arith.constant 72 : i32
    %dma_start3A_21 = tpu.memref_slice %arg6[%dma_start3A_20] : memref<144xi32, #tpu.memory_space<vmem>> -> memref<72xi32, #tpu.memory_space<vmem>>
    %dma_start3A_22 = arith.constant 0 : i32
    %dma_start3A_23 = arith.constant 0 : i32
    %dma_start3A_24 = tpu.memref_slice %arg2[%dma_start3A_22, %dma_start3A_23] : memref<589824x128xf32, #tpu.memory_space<hbm>> -> memref<589824x128xf32, #tpu.memory_space<hbm>>
    tpu.enqueue_indirect_dma source(%dma_start3A_24 : memref<589824x128xf32, #tpu.memory_space<hbm>>) target(%dma_start3A_19 : memref<72x128xf32, #tpu.memory_space<vmem>>) offsets(%dma_start3A_21 : memref<72xi32, #tpu.memory_space<vmem>>) semaphore(%arg10 : memref<!tpu.dma_semaphore, #tpu.memory_space<semaphore_mem>>)
    %broadcast_in_dim3A = arith.constant 0.000000e+00 : f32
    %broadcast_in_dim3A_25 = vector.broadcast %broadcast_in_dim3A : f32 to vector<16xf32>
    %broadcast_in_dim3A_26 = arith.constant 0.000000e+00 : f32
    %broadcast_in_dim3A_27 = vector.broadcast %broadcast_in_dim3A_26 : f32 to vector<16xf32>
    %broadcast_in_dim3A_28 = arith.constant 0.000000e+00 : f32
    %broadcast_in_dim3A_29 = vector.broadcast %broadcast_in_dim3A_28 : f32 to vector<16xf32>
    %broadcast_in_dim3A_30 = arith.constant 0.000000e+00 : f32
    %broadcast_in_dim3A_31 = vector.broadcast %broadcast_in_dim3A_30 : f32 to vector<16xf32>
    %broadcast_in_dim3A_32 = arith.constant 0.000000e+00 : f32
    %broadcast_in_dim3A_33 = vector.broadcast %broadcast_in_dim3A_32 : f32 to vector<16xf32>
    %broadcast_in_dim3A_34 = arith.constant 0.000000e+00 : f32
    %broadcast_in_dim3A_35 = vector.broadcast %broadcast_in_dim3A_34 : f32 to vector<16xf32>
    %broadcast_in_dim3A_36 = arith.constant 0.000000e+00 : f32
    %broadcast_in_dim3A_37 = vector.broadcast %broadcast_in_dim3A_36 : f32 to vector<16xf32>
    %broadcast_in_dim3A_38 = arith.constant 0.000000e+00 : f32
    %broadcast_in_dim3A_39 = vector.broadcast %broadcast_in_dim3A_38 : f32 to vector<16xf32>
    %dma_wait3A = arith.constant 0 : i32
    %dma_wait3A_40 = arith.constant 0 : i32
    %dma_wait3A_41 = tpu.memref_slice %arg7[%dma_wait3A, %dma_wait3A_40] : memref<144x128xf32, #tpu.memory_space<vmem>> -> memref<72x128xf32, #tpu.memory_space<vmem>>
    %dma_wait3A_42 = arith.constant 0 : i32
    %dma_wait3A_43 = tpu.memref_slice %arg6[%dma_wait3A_42] : memref<144xi32, #tpu.memory_space<vmem>> -> memref<72xi32, #tpu.memory_space<vmem>>
    %dma_wait3A_44 = arith.constant 0 : i32
    %dma_wait3A_45 = arith.constant 0 : i32
    %dma_wait3A_46 = tpu.memref_slice %arg2[%dma_wait3A_44, %dma_wait3A_45] : memref<589824x128xf32, #tpu.memory_space<hbm>> -> memref<589824x128xf32, #tpu.memory_space<hbm>>
    tpu.wait_indirect_dma semaphore(%arg10 : memref<!tpu.dma_semaphore, #tpu.memory_space<semaphore_mem>>) src(%dma_wait3A_46 : memref<589824x128xf32, #tpu.memory_space<hbm>>) dst(%dma_wait3A_41 : memref<72x128xf32, #tpu.memory_space<vmem>>)
    %scan3A_47 = arith.constant 0 : i32
    %scan3A_48 = arith.constant 36 : i32
    %scan3A_49 = arith.addi %scan3A_47, %scan3A_48 : i32
    %scan3A_50 = arith.constant 1 : i32
    %scan3A_51:8 = scf.for %scan3A_207 = %scan3A_47 to %scan3A_49 step %scan3A_50 iter_args(%scan3A_208 = %broadcast_in_dim3A_25, %scan3A_209 = %broadcast_in_dim3A_27, %scan3A_210 = %broadcast_in_dim3A_29, %scan3A_211 = %broadcast_in_dim3A_31, %scan3A_212 = %broadcast_in_dim3A_33, %scan3A_213 = %broadcast_in_dim3A_35, %scan3A_214 = %broadcast_in_dim3A_37, %scan3A_215 = %broadcast_in_dim3A_39) -> (vector<16xf32>, vector<16xf32>, vector<16xf32>, vector<16xf32>, vector<16xf32>, vector<16xf32>, vector<16xf32>, vector<16xf32>)  : i32 {
      %mul3A_216 = arith.constant 2 : i32
      %mul3A_217 = arith.muli %scan3A_207, %mul3A_216 : i32
      %get3A_218 = arith.index_cast %mul3A_217 : i32 to index
      %get3A_219 = arith.constant 0 : index
      %get3A_220 = tpu.vector_load %arg7[%get3A_218, %get3A_219] {strides = array<i32>} : memref<144x128xf32, #tpu.memory_space<vmem>>, vector<16xf32>,
      %add3A_221 = arith.addf %scan3A_208, %get3A_220 : vector<16xf32>
      %get3A_222 = arith.index_cast %mul3A_217 : i32 to index
      %get3A_223 = arith.constant 16 : index
      %get3A_224 = tpu.vector_load %arg7[%get3A_222, %get3A_223] {strides = array<i32>} : memref<144x128xf32, #tpu.memory_space<vmem>>, vector<16xf32>,
      %add3A_225 = arith.addf %scan3A_209, %get3A_224 : vector<16xf32>
      %get3A_226 = arith.index_cast %mul3A_217 : i32 to index
      %get3A_227 = arith.constant 32 : index
      %get3A_228 = tpu.vector_load %arg7[%get3A_226, %get3A_227] {strides = array<i32>} : memref<144x128xf32, #tpu.memory_space<vmem>>, vector<16xf32>,
      %add3A_229 = arith.addf %scan3A_210, %get3A_228 : vector<16xf32>
      %get3A_230 = arith.index_cast %mul3A_217 : i32 to index
      %get3A_231 = arith.constant 48 : index
      %get3A_232 = tpu.vector_load %arg7[%get3A_230, %get3A_231] {strides = array<i32>} : memref<144x128xf32, #tpu.memory_space<vmem>>, vector<16xf32>,
      %add3A_233 = arith.addf %scan3A_211, %get3A_232 : vector<16xf32>
      %get3A_234 = arith.index_cast %mul3A_217 : i32 to index
      %get3A_235 = arith.constant 64 : index
      %get3A_236 = tpu.vector_load %arg7[%get3A_234, %get3A_235] {strides = array<i32>} : memref<144x128xf32, #tpu.memory_space<vmem>>, vector<16xf32>,
      %add3A_237 = arith.addf %scan3A_212, %get3A_236 : vector<16xf32>
      %get3A_238 = arith.index_cast %mul3A_217 : i32 to index
      %get3A_239 = arith.constant 80 : index
      %get3A_240 = tpu.vector_load %arg7[%get3A_238, %get3A_239] {strides = array<i32>} : memref<144x128xf32, #tpu.memory_space<vmem>>, vector<16xf32>,
      %add3A_241 = arith.addf %scan3A_213, %get3A_240 : vector<16xf32>
      %get3A_242 = arith.index_cast %mul3A_217 : i32 to index
      %get3A_243 = arith.constant 96 : index
      %get3A_244 = tpu.vector_load %arg7[%get3A_242, %get3A_243] {strides = array<i32>} : memref<144x128xf32, #tpu.memory_space<vmem>>, vector<16xf32>,
      %add3A_245 = arith.addf %scan3A_214, %get3A_244 : vector<16xf32>
      %get3A_246 = arith.index_cast %mul3A_217 : i32 to index
      %get3A_247 = arith.constant 112 : index
      %get3A_248 = tpu.vector_load %arg7[%get3A_246, %get3A_247] {strides = array<i32>} : memref<144x128xf32, #tpu.memory_space<vmem>>, vector<16xf32>,
      %add3A_249 = arith.addf %scan3A_215, %get3A_248 : vector<16xf32>
      %add3A_250 = arith.constant 1 : i32
      %add3A_251 = arith.addi %mul3A_217, %add3A_250 : i32
      %get3A_252 = arith.index_cast %add3A_251 : i32 to index
      %get3A_253 = arith.constant 0 : index
      %get3A_254 = tpu.vector_load %arg7[%get3A_252, %get3A_253] {strides = array<i32>} : memref<144x128xf32, #tpu.memory_space<vmem>>, vector<16xf32>,
      %add3A_255 = arith.addf %add3A_221, %get3A_254 : vector<16xf32>
      %add3A_256 = arith.constant 1 : i32
      %add3A_257 = arith.addi %mul3A_217, %add3A_256 : i32
      %get3A_258 = arith.index_cast %add3A_257 : i32 to index
      %get3A_259 = arith.constant 16 : index
      %get3A_260 = tpu.vector_load %arg7[%get3A_258, %get3A_259] {strides = array<i32>} : memref<144x128xf32, #tpu.memory_space<vmem>>, vector<16xf32>,
      %add3A_261 = arith.addf %add3A_225, %get3A_260 : vector<16xf32>
      %add3A_262 = arith.constant 1 : i32
      %add3A_263 = arith.addi %mul3A_217, %add3A_262 : i32
      %get3A_264 = arith.index_cast %add3A_263 : i32 to index
      %get3A_265 = arith.constant 32 : index
      %get3A_266 = tpu.vector_load %arg7[%get3A_264, %get3A_265] {strides = array<i32>} : memref<144x128xf32, #tpu.memory_space<vmem>>, vector<16xf32>,
      %add3A_267 = arith.addf %add3A_229, %get3A_266 : vector<16xf32>
      %add3A_268 = arith.constant 1 : i32
      %add3A_269 = arith.addi %mul3A_217, %add3A_268 : i32
      %get3A_270 = arith.index_cast %add3A_269 : i32 to index
      %get3A_271 = arith.constant 48 : index
      %get3A_272 = tpu.vector_load %arg7[%get3A_270, %get3A_271] {strides = array<i32>} : memref<144x128xf32, #tpu.memory_space<vmem>>, vector<16xf32>,
      %add3A_273 = arith.addf %add3A_233, %get3A_272 : vector<16xf32>
      %add3A_274 = arith.constant 1 : i32
      %add3A_275 = arith.addi %mul3A_217, %add3A_274 : i32
      %get3A_276 = arith.index_cast %add3A_275 : i32 to index
      %get3A_277 = arith.constant 64 : index
      %get3A_278 = tpu.vector_load %arg7[%get3A_276, %get3A_277] {strides = array<i32>} : memref<144x128xf32, #tpu.memory_space<vmem>>, vector<16xf32>,
      %add3A_279 = arith.addf %add3A_237, %get3A_278 : vector<16xf32>
      %add3A_280 = arith.constant 1 : i32
      %add3A_281 = arith.addi %mul3A_217, %add3A_280 : i32
      %get3A_282 = arith.index_cast %add3A_281 : i32 to index
      %get3A_283 = arith.constant 80 : index
      %get3A_284 = tpu.vector_load %arg7[%get3A_282, %get3A_283] {strides = array<i32>} : memref<144x128xf32, #tpu.memory_space<vmem>>, vector<16xf32>,
      %add3A_285 = arith.addf %add3A_241, %get3A_284 : vector<16xf32>
      %add3A_286 = arith.constant 1 : i32
      %add3A_287 = arith.addi %mul3A_217, %add3A_286 : i32
      %get3A_288 = arith.index_cast %add3A_287 : i32 to index
      %get3A_289 = arith.constant 96 : index
      %get3A_290 = tpu.vector_load %arg7[%get3A_288, %get3A_289] {strides = array<i32>} : memref<144x128xf32, #tpu.memory_space<vmem>>, vector<16xf32>,
      %add3A_291 = arith.addf %add3A_245, %get3A_290 : vector<16xf32>
      %add3A_292 = arith.constant 1 : i32
      %add3A_293 = arith.addi %mul3A_217, %add3A_292 : i32
      %get3A_294 = arith.index_cast %add3A_293 : i32 to index
      %get3A_295 = arith.constant 112 : index
      %get3A_296 = tpu.vector_load %arg7[%get3A_294, %get3A_295] {strides = array<i32>} : memref<144x128xf32, #tpu.memory_space<vmem>>, vector<16xf32>,
      %add3A_297 = arith.addf %add3A_249, %get3A_296 : vector<16xf32>
      scf.yield %add3A_255, %add3A_261, %add3A_267, %add3A_273, %add3A_279, %add3A_285, %add3A_291, %add3A_297 : vector<16xf32>, vector<16xf32>, vector<16xf32>, vector<16xf32>, vector<16xf32>, vector<16xf32>, vector<16xf32>, vector<16xf32>
    }
    %scan3A_52 = arith.constant 36 : i32
    %dma_wait3A_53 = arith.constant 72 : i32
    %dma_wait3A_54 = arith.constant 0 : i32
    %dma_wait3A_55 = tpu.memref_slice %arg7[%dma_wait3A_53, %dma_wait3A_54] : memref<144x128xf32, #tpu.memory_space<vmem>> -> memref<72x128xf32, #tpu.memory_space<vmem>>
    %dma_wait3A_56 = arith.constant 72 : i32
    %dma_wait3A_57 = tpu.memref_slice %arg6[%dma_wait3A_56] : memref<144xi32, #tpu.memory_space<vmem>> -> memref<72xi32, #tpu.memory_space<vmem>>
    %dma_wait3A_58 = arith.constant 0 : i32
    %dma_wait3A_59 = arith.constant 0 : i32
    %dma_wait3A_60 = tpu.memref_slice %arg2[%dma_wait3A_58, %dma_wait3A_59] : memref<589824x128xf32, #tpu.memory_space<hbm>> -> memref<589824x128xf32, #tpu.memory_space<hbm>>
    tpu.wait_indirect_dma semaphore(%arg10 : memref<!tpu.dma_semaphore, #tpu.memory_space<semaphore_mem>>) src(%dma_wait3A_60 : memref<589824x128xf32, #tpu.memory_space<hbm>>) dst(%dma_wait3A_55 : memref<72x128xf32, #tpu.memory_space<vmem>>)
    %scan3A_61 = arith.constant 36 : i32
    %scan3A_62 = arith.constant 36 : i32
    %scan3A_63 = arith.addi %scan3A_61, %scan3A_62 : i32
    %scan3A_64 = arith.constant 1 : i32
    %scan3A_65:8 = scf.for %scan3A_207 = %scan3A_61 to %scan3A_63 step %scan3A_64 iter_args(%scan3A_208 = %scan3A_51#0, %scan3A_209 = %scan3A_51#1, %scan3A_210 = %scan3A_51#2, %scan3A_211 = %scan3A_51#3, %scan3A_212 = %scan3A_51#4, %scan3A_213 = %scan3A_51#5, %scan3A_214 = %scan3A_51#6, %scan3A_215 = %scan3A_51#7) -> (vector<16xf32>, vector<16xf32>, vector<16xf32>, vector<16xf32>, vector<16xf32>, vector<16xf32>, vector<16xf32>, vector<16xf32>)  : i32 {
      %mul3A_216 = arith.constant 2 : i32
      %mul3A_217 = arith.muli %scan3A_207, %mul3A_216 : i32
      %get3A_218 = arith.index_cast %mul3A_217 : i32 to index
      %get3A_219 = arith.constant 0 : index
      %get3A_220 = tpu.vector_load %arg7[%get3A_218, %get3A_219] {strides = array<i32>} : memref<144x128xf32, #tpu.memory_space<vmem>>, vector<16xf32>,
      %add3A_221 = arith.addf %scan3A_208, %get3A_220 : vector<16xf32>
      %get3A_222 = arith.index_cast %mul3A_217 : i32 to index
      %get3A_223 = arith.constant 16 : index
      %get3A_224 = tpu.vector_load %arg7[%get3A_222, %get3A_223] {strides = array<i32>} : memref<144x128xf32, #tpu.memory_space<vmem>>, vector<16xf32>,
      %add3A_225 = arith.addf %scan3A_209, %get3A_224 : vector<16xf32>
      %get3A_226 = arith.index_cast %mul3A_217 : i32 to index
      %get3A_227 = arith.constant 32 : index
      %get3A_228 = tpu.vector_load %arg7[%get3A_226, %get3A_227] {strides = array<i32>} : memref<144x128xf32, #tpu.memory_space<vmem>>, vector<16xf32>,
      %add3A_229 = arith.addf %scan3A_210, %get3A_228 : vector<16xf32>
      %get3A_230 = arith.index_cast %mul3A_217 : i32 to index
      %get3A_231 = arith.constant 48 : index
      %get3A_232 = tpu.vector_load %arg7[%get3A_230, %get3A_231] {strides = array<i32>} : memref<144x128xf32, #tpu.memory_space<vmem>>, vector<16xf32>,
      %add3A_233 = arith.addf %scan3A_211, %get3A_232 : vector<16xf32>
      %get3A_234 = arith.index_cast %mul3A_217 : i32 to index
      %get3A_235 = arith.constant 64 : index
      %get3A_236 = tpu.vector_load %arg7[%get3A_234, %get3A_235] {strides = array<i32>} : memref<144x128xf32, #tpu.memory_space<vmem>>, vector<16xf32>,
      %add3A_237 = arith.addf %scan3A_212, %get3A_236 : vector<16xf32>
      %get3A_238 = arith.index_cast %mul3A_217 : i32 to index
      %get3A_239 = arith.constant 80 : index
      %get3A_240 = tpu.vector_load %arg7[%get3A_238, %get3A_239] {strides = array<i32>} : memref<144x128xf32, #tpu.memory_space<vmem>>, vector<16xf32>,
      %add3A_241 = arith.addf %scan3A_213, %get3A_240 : vector<16xf32>
      %get3A_242 = arith.index_cast %mul3A_217 : i32 to index
      %get3A_243 = arith.constant 96 : index
      %get3A_244 = tpu.vector_load %arg7[%get3A_242, %get3A_243] {strides = array<i32>} : memref<144x128xf32, #tpu.memory_space<vmem>>, vector<16xf32>,
      %add3A_245 = arith.addf %scan3A_214, %get3A_244 : vector<16xf32>
      %get3A_246 = arith.index_cast %mul3A_217 : i32 to index
      %get3A_247 = arith.constant 112 : index
      %get3A_248 = tpu.vector_load %arg7[%get3A_246, %get3A_247] {strides = array<i32>} : memref<144x128xf32, #tpu.memory_space<vmem>>, vector<16xf32>,
      %add3A_249 = arith.addf %scan3A_215, %get3A_248 : vector<16xf32>
      %add3A_250 = arith.constant 1 : i32
      %add3A_251 = arith.addi %mul3A_217, %add3A_250 : i32
      %get3A_252 = arith.index_cast %add3A_251 : i32 to index
      %get3A_253 = arith.constant 0 : index
      %get3A_254 = tpu.vector_load %arg7[%get3A_252, %get3A_253] {strides = array<i32>} : memref<144x128xf32, #tpu.memory_space<vmem>>, vector<16xf32>,
      %add3A_255 = arith.addf %add3A_221, %get3A_254 : vector<16xf32>
      %add3A_256 = arith.constant 1 : i32
      %add3A_257 = arith.addi %mul3A_217, %add3A_256 : i32
      %get3A_258 = arith.index_cast %add3A_257 : i32 to index
      %get3A_259 = arith.constant 16 : index
      %get3A_260 = tpu.vector_load %arg7[%get3A_258, %get3A_259] {strides = array<i32>} : memref<144x128xf32, #tpu.memory_space<vmem>>, vector<16xf32>,
      %add3A_261 = arith.addf %add3A_225, %get3A_260 : vector<16xf32>
      %add3A_262 = arith.constant 1 : i32
      %add3A_263 = arith.addi %mul3A_217, %add3A_262 : i32
      %get3A_264 = arith.index_cast %add3A_263 : i32 to index
      %get3A_265 = arith.constant 32 : index
      %get3A_266 = tpu.vector_load %arg7[%get3A_264, %get3A_265] {strides = array<i32>} : memref<144x128xf32, #tpu.memory_space<vmem>>, vector<16xf32>,
      %add3A_267 = arith.addf %add3A_229, %get3A_266 : vector<16xf32>
      %add3A_268 = arith.constant 1 : i32
      %add3A_269 = arith.addi %mul3A_217, %add3A_268 : i32
      %get3A_270 = arith.index_cast %add3A_269 : i32 to index
      %get3A_271 = arith.constant 48 : index
      %get3A_272 = tpu.vector_load %arg7[%get3A_270, %get3A_271] {strides = array<i32>} : memref<144x128xf32, #tpu.memory_space<vmem>>, vector<16xf32>,
      %add3A_273 = arith.addf %add3A_233, %get3A_272 : vector<16xf32>
      %add3A_274 = arith.constant 1 : i32
      %add3A_275 = arith.addi %mul3A_217, %add3A_274 : i32
      %get3A_276 = arith.index_cast %add3A_275 : i32 to index
      %get3A_277 = arith.constant 64 : index
      %get3A_278 = tpu.vector_load %arg7[%get3A_276, %get3A_277] {strides = array<i32>} : memref<144x128xf32, #tpu.memory_space<vmem>>, vector<16xf32>,
      %add3A_279 = arith.addf %add3A_237, %get3A_278 : vector<16xf32>
      %add3A_280 = arith.constant 1 : i32
      %add3A_281 = arith.addi %mul3A_217, %add3A_280 : i32
      %get3A_282 = arith.index_cast %add3A_281 : i32 to index
      %get3A_283 = arith.constant 80 : index
      %get3A_284 = tpu.vector_load %arg7[%get3A_282, %get3A_283] {strides = array<i32>} : memref<144x128xf32, #tpu.memory_space<vmem>>, vector<16xf32>,
      %add3A_285 = arith.addf %add3A_241, %get3A_284 : vector<16xf32>
      %add3A_286 = arith.constant 1 : i32
      %add3A_287 = arith.addi %mul3A_217, %add3A_286 : i32
      %get3A_288 = arith.index_cast %add3A_287 : i32 to index
      %get3A_289 = arith.constant 96 : index
      %get3A_290 = tpu.vector_load %arg7[%get3A_288, %get3A_289] {strides = array<i32>} : memref<144x128xf32, #tpu.memory_space<vmem>>, vector<16xf32>,
      %add3A_291 = arith.addf %add3A_245, %get3A_290 : vector<16xf32>
      %add3A_292 = arith.constant 1 : i32
      %add3A_293 = arith.addi %mul3A_217, %add3A_292 : i32
      %get3A_294 = arith.index_cast %add3A_293 : i32 to index
      %get3A_295 = arith.constant 112 : index
      %get3A_296 = tpu.vector_load %arg7[%get3A_294, %get3A_295] {strides = array<i32>} : memref<144x128xf32, #tpu.memory_space<vmem>>, vector<16xf32>,
      %add3A_297 = arith.addf %add3A_249, %get3A_296 : vector<16xf32>
      scf.yield %add3A_255, %add3A_261, %add3A_267, %add3A_273, %add3A_279, %add3A_285, %add3A_291, %add3A_297 : vector<16xf32>, vector<16xf32>, vector<16xf32>, vector<16xf32>, vector<16xf32>, vector<16xf32>, vector<16xf32>, vector<16xf32>
    }
    %scan3A_66 = arith.constant 36 : i32
    %broadcast_in_dim3A_67 = arith.constant 0.000000e+00 : f32
    %broadcast_in_dim3A_68 = vector.broadcast %broadcast_in_dim3A_67 : f32 to vector<16xf32>
    %mul3A_69 = arith.constant 0.0069444445 : f32
    %mul3A_70 = vector.broadcast %mul3A_69 : f32 to vector<16xf32>
    %mul3A_71 = arith.mulf %scan3A_65#0, %mul3A_70 : vector<16xf32>
    %swap3A = arith.constant 0 : index
    %swap3A_72 = tpu.vector_load %arg8[%swap3A] {strides = array<i32>} : memref<128xf32, #tpu.memory_space<vmem>>, vector<16xf32>,
    tpu.vector_store %arg8[%swap3A], %mul3A_71 {strides = array<i32>} : memref<128xf32, #tpu.memory_space<vmem>>, vector<16xf32>,
    %add3A_73 = arith.addf %broadcast_in_dim3A_68, %mul3A_71 : vector<16xf32>
    %mul3A_74 = arith.constant 0.0069444445 : f32
    %mul3A_75 = vector.broadcast %mul3A_74 : f32 to vector<16xf32>
    %mul3A_76 = arith.mulf %scan3A_65#1, %mul3A_75 : vector<16xf32>
    %swap3A_77 = arith.constant 16 : index
    %swap3A_78 = tpu.vector_load %arg8[%swap3A_77] {strides = array<i32>} : memref<128xf32, #tpu.memory_space<vmem>>, vector<16xf32>,
    tpu.vector_store %arg8[%swap3A_77], %mul3A_76 {strides = array<i32>} : memref<128xf32, #tpu.memory_space<vmem>>, vector<16xf32>,
    %add3A_79 = arith.addf %add3A_73, %mul3A_76 : vector<16xf32>
    %mul3A_80 = arith.constant 0.0069444445 : f32
    %mul3A_81 = vector.broadcast %mul3A_80 : f32 to vector<16xf32>
    %mul3A_82 = arith.mulf %scan3A_65#2, %mul3A_81 : vector<16xf32>
    %swap3A_83 = arith.constant 32 : index
    %swap3A_84 = tpu.vector_load %arg8[%swap3A_83] {strides = array<i32>} : memref<128xf32, #tpu.memory_space<vmem>>, vector<16xf32>,
    tpu.vector_store %arg8[%swap3A_83], %mul3A_82 {strides = array<i32>} : memref<128xf32, #tpu.memory_space<vmem>>, vector<16xf32>,
    %add3A_85 = arith.addf %add3A_79, %mul3A_82 : vector<16xf32>
    %mul3A_86 = arith.constant 0.0069444445 : f32
    %mul3A_87 = vector.broadcast %mul3A_86 : f32 to vector<16xf32>
    %mul3A_88 = arith.mulf %scan3A_65#3, %mul3A_87 : vector<16xf32>
    %swap3A_89 = arith.constant 48 : index
    %swap3A_90 = tpu.vector_load %arg8[%swap3A_89] {strides = array<i32>} : memref<128xf32, #tpu.memory_space<vmem>>, vector<16xf32>,
    tpu.vector_store %arg8[%swap3A_89], %mul3A_88 {strides = array<i32>} : memref<128xf32, #tpu.memory_space<vmem>>, vector<16xf32>,
    %add3A_91 = arith.addf %add3A_85, %mul3A_88 : vector<16xf32>
    %mul3A_92 = arith.constant 0.0069444445 : f32
    %mul3A_93 = vector.broadcast %mul3A_92 : f32 to vector<16xf32>
    %mul3A_94 = arith.mulf %scan3A_65#4, %mul3A_93 : vector<16xf32>
    %swap3A_95 = arith.constant 64 : index
    %swap3A_96 = tpu.vector_load %arg8[%swap3A_95] {strides = array<i32>} : memref<128xf32, #tpu.memory_space<vmem>>, vector<16xf32>,
    tpu.vector_store %arg8[%swap3A_95], %mul3A_94 {strides = array<i32>} : memref<128xf32, #tpu.memory_space<vmem>>, vector<16xf32>,
    %add3A_97 = arith.addf %add3A_91, %mul3A_94 : vector<16xf32>
    %mul3A_98 = arith.constant 0.0069444445 : f32
    %mul3A_99 = vector.broadcast %mul3A_98 : f32 to vector<16xf32>
    %mul3A_100 = arith.mulf %scan3A_65#5, %mul3A_99 : vector<16xf32>
    %swap3A_101 = arith.constant 80 : index
    %swap3A_102 = tpu.vector_load %arg8[%swap3A_101] {strides = array<i32>} : memref<128xf32, #tpu.memory_space<vmem>>, vector<16xf32>,
    tpu.vector_store %arg8[%swap3A_101], %mul3A_100 {strides = array<i32>} : memref<128xf32, #tpu.memory_space<vmem>>, vector<16xf32>,
    %add3A_103 = arith.addf %add3A_97, %mul3A_100 : vector<16xf32>
    %mul3A_104 = arith.constant 0.0069444445 : f32
    %mul3A_105 = vector.broadcast %mul3A_104 : f32 to vector<16xf32>
    %mul3A_106 = arith.mulf %scan3A_65#6, %mul3A_105 : vector<16xf32>
    %swap3A_107 = arith.constant 96 : index
    %swap3A_108 = tpu.vector_load %arg8[%swap3A_107] {strides = array<i32>} : memref<128xf32, #tpu.memory_space<vmem>>, vector<16xf32>,
    tpu.vector_store %arg8[%swap3A_107], %mul3A_106 {strides = array<i32>} : memref<128xf32, #tpu.memory_space<vmem>>, vector<16xf32>,
    %add3A_109 = arith.addf %add3A_103, %mul3A_106 : vector<16xf32>
    %mul3A_110 = arith.constant 0.0069444445 : f32
    %mul3A_111 = vector.broadcast %mul3A_110 : f32 to vector<16xf32>
    %mul3A_112 = arith.mulf %scan3A_65#7, %mul3A_111 : vector<16xf32>
    %swap3A_113 = arith.constant 112 : index
    %swap3A_114 = tpu.vector_load %arg8[%swap3A_113] {strides = array<i32>} : memref<128xf32, #tpu.memory_space<vmem>>, vector<16xf32>,
    tpu.vector_store %arg8[%swap3A_113], %mul3A_112 {strides = array<i32>} : memref<128xf32, #tpu.memory_space<vmem>>, vector<16xf32>,
    %add3A_115 = arith.addf %add3A_109, %mul3A_112 : vector<16xf32>
    %reduce_sum3A = arith.constant true
    %reduce_sum3A_116 = vector.broadcast %reduce_sum3A : i1 to vector<16xi1>
    %reduce_sum3A_117 = tpu.scan <sum>, %add3A_115 masked %reduce_sum3A_116 : vector<16xf32>, vector<16xi1> -> vector<16xf32>
    %reduce_sum3A_118 = vector.extract %reduce_sum3A_117[15] : f32 from vector<16xf32>
    %mul3A_119 = arith.constant 7.812500e-03 : f32
    %mul3A_120 = arith.mulf %reduce_sum3A_118, %mul3A_119 : f32
    %broadcast_in_dim3A_121 = arith.constant 0.000000e+00 : f32
    %broadcast_in_dim3A_122 = vector.broadcast %broadcast_in_dim3A_121 : f32 to vector<16xf32>
    %scan3A_123 = arith.constant 0 : i32
    %scan3A_124 = arith.constant 8 : i32
    %scan3A_125 = arith.addi %scan3A_123, %scan3A_124 : i32
    %scan3A_126 = arith.constant 1 : i32
    %scan3A_127:3 = scf.for %scan3A_207 = %scan3A_123 to %scan3A_125 step %scan3A_126 iter_args(%scan3A_208 = %broadcast_in_dim3A_122, %scan3A_209 = %broadcast_in_dim3A_122, %scan3A_210 = %broadcast_in_dim3A_122) -> (vector<16xf32>, vector<16xf32>, vector<16xf32>)  : i32 {
      %mul3A_211 = arith.constant 16 : i32
      %mul3A_212 = arith.muli %scan3A_207, %mul3A_211 : i32
      %multiple_of3A = tpu.assume_multiple %mul3A_212, 16 : i32
      %get3A_213 = arith.index_cast %multiple_of3A : i32 to index
      %get3A_214 = tpu.vector_load %arg8[%get3A_213] {strides = array<i32>} : memref<128xf32, #tpu.memory_space<vmem>>, vector<16xf32>,
      %sub3A = vector.broadcast %mul3A_120 : f32 to vector<16xf32>
      %sub3A_215 = arith.subf %get3A_214, %sub3A : vector<16xf32>
      %mul3A_216 = arith.mulf %sub3A_215, %sub3A_215 : vector<16xf32>
      %add3A_217 = arith.constant 1.000000e-10 : f32
      %add3A_218 = vector.broadcast %add3A_217 : f32 to vector<16xf32>
      %add3A_219 = arith.addf %get3A_214, %add3A_218 : vector<16xf32>
      %bitcast_convert_type3A_220 = tpu.bitcast %add3A_219 : vector<16xf32> -> vector<16xi32>
      %shift_right_arithmetic3A_221 = arith.constant 23 : i32
      %shift_right_arithmetic3A_222 = vector.broadcast %shift_right_arithmetic3A_221 : i32 to vector<16xi32>
      %shift_right_arithmetic3A_223 = arith.shrsi %bitcast_convert_type3A_220, %shift_right_arithmetic3A_222 : vector<16xi32>
      %sub3A_224 = arith.constant 127 : i32
      %sub3A_225 = vector.broadcast %sub3A_224 : i32 to vector<16xi32>
      %sub3A_226 = arith.subi %shift_right_arithmetic3A_223, %sub3A_225 : vector<16xi32>
      %and3A = arith.constant 8388607 : i32
      %and3A_227 = vector.broadcast %and3A : i32 to vector<16xi32>
      %and3A_228 = arith.andi %bitcast_convert_type3A_220, %and3A_227 : vector<16xi32>
      %or3A = arith.constant 1065353216 : i32
      %or3A_229 = vector.broadcast %or3A : i32 to vector<16xi32>
      %or3A_230 = arith.ori %and3A_228, %or3A_229 : vector<16xi32>
      %bitcast_convert_type3A_231 = tpu.bitcast %or3A_230 : vector<16xi32> -> vector<16xf32>
      %sub3A_232 = arith.constant 1.000000e+00 : f32
      %sub3A_233 = vector.broadcast %sub3A_232 : f32 to vector<16xf32>
      %sub3A_234 = arith.subf %bitcast_convert_type3A_231, %sub3A_233 : vector<16xf32>
      %add3A_235 = arith.constant 1.000000e+00 : f32
      %add3A_236 = vector.broadcast %add3A_235 : f32 to vector<16xf32>
      %add3A_237 = arith.addf %bitcast_convert_type3A_231, %add3A_236 : vector<16xf32>
      %div3A_238 = arith.divf %sub3A_234, %add3A_237 : vector<16xf32>
      %mul3A_239 = arith.mulf %div3A_238, %div3A_238 : vector<16xf32>
      %mul3A_240 = arith.constant 0.285714298 : f32
      %mul3A_241 = vector.broadcast %mul3A_240 : f32 to vector<16xf32>
      %mul3A_242 = arith.mulf %mul3A_239, %mul3A_241 : vector<16xf32>
      %add3A_243 = arith.constant 4.000000e-01 : f32
      %add3A_244 = vector.broadcast %add3A_243 : f32 to vector<16xf32>
      %add3A_245 = arith.addf %add3A_244, %mul3A_242 : vector<16xf32>
      %mul3A_246 = arith.mulf %mul3A_239, %add3A_245 : vector<16xf32>
      %add3A_247 = arith.constant 0.666666686 : f32
      %add3A_248 = vector.broadcast %add3A_247 : f32 to vector<16xf32>
      %add3A_249 = arith.addf %add3A_248, %mul3A_246 : vector<16xf32>
      %mul3A_250 = arith.mulf %mul3A_239, %add3A_249 : vector<16xf32>
      %add3A_251 = arith.constant 2.000000e+00 : f32
      %add3A_252 = vector.broadcast %add3A_251 : f32 to vector<16xf32>
      %add3A_253 = arith.addf %add3A_252, %mul3A_250 : vector<16xf32>
      %mul3A_254 = arith.mulf %div3A_238, %add3A_253 : vector<16xf32>
      %convert_element_type3A = arith.sitofp %sub3A_226 : vector<16xi32> to vector<16xf32>
      %mul3A_255 = arith.constant 0.693147182 : f32
      %mul3A_256 = vector.broadcast %mul3A_255 : f32 to vector<16xf32>
      %mul3A_257 = arith.mulf %convert_element_type3A, %mul3A_256 : vector<16xf32>
      %add3A_258 = arith.addf %mul3A_254, %mul3A_257 : vector<16xf32>
      %mul3A_259 = arith.mulf %get3A_214, %add3A_258 : vector<16xf32>
      %add3A_260 = arith.addf %scan3A_208, %mul3A_259 : vector<16xf32>
      %add3A_261 = arith.addf %scan3A_209, %mul3A_216 : vector<16xf32>
      %mul3A_262 = arith.mulf %mul3A_216, %sub3A_215 : vector<16xf32>
      %add3A_263 = arith.addf %scan3A_210, %mul3A_262 : vector<16xf32>
      scf.yield %add3A_260, %add3A_261, %add3A_263 : vector<16xf32>, vector<16xf32>, vector<16xf32>
    }
    %scan3A_128 = arith.constant 8 : i32
    %reduce_sum3A_129 = arith.constant true
    %reduce_sum3A_130 = vector.broadcast %reduce_sum3A_129 : i1 to vector<16xi1>
    %reduce_sum3A_131 = tpu.scan <sum>, %scan3A_127#0 masked %reduce_sum3A_130 : vector<16xf32>, vector<16xi1> -> vector<16xf32>
    %reduce_sum3A_132 = vector.extract %reduce_sum3A_131[15] : f32 from vector<16xf32>
    %neg3A = arith.constant 0.000000e+00 : f32
    %neg3A_133 = arith.subf %neg3A, %reduce_sum3A_132 : f32
    %reduce_sum3A_134 = arith.constant true
    %reduce_sum3A_135 = vector.broadcast %reduce_sum3A_134 : i1 to vector<16xi1>
    %reduce_sum3A_136 = tpu.scan <sum>, %scan3A_127#1 masked %reduce_sum3A_135 : vector<16xf32>, vector<16xi1> -> vector<16xf32>
    %reduce_sum3A_137 = vector.extract %reduce_sum3A_136[15] : f32 from vector<16xf32>
    %mul3A_138 = arith.constant 0.00787401571 : f32
    %mul3A_139 = arith.mulf %reduce_sum3A_137, %mul3A_138 : f32
    %broadcast_in_dim3A_140 = arith.constant 1.000000e+00 : f32
    %broadcast_in_dim3A_141 = vector.broadcast %broadcast_in_dim3A_140 : f32 to vector<16xf32>
    %mul3A_142 = vector.broadcast %mul3A_139 : f32 to vector<16xf32>
    %mul3A_143 = arith.mulf %mul3A_142, %broadcast_in_dim3A_141 : vector<16xf32>
    %bitcast_convert_type3A = tpu.bitcast %mul3A_143 : vector<16xf32> -> vector<16xi32>
    %shift_right_arithmetic3A = arith.constant 1 : i32
    %shift_right_arithmetic3A_144 = vector.broadcast %shift_right_arithmetic3A : i32 to vector<16xi32>
    %shift_right_arithmetic3A_145 = arith.shrsi %bitcast_convert_type3A, %shift_right_arithmetic3A_144 : vector<16xi32>
    %add3A_146 = arith.constant 532487669 : i32
    %add3A_147 = vector.broadcast %add3A_146 : i32 to vector<16xi32>
    %add3A_148 = arith.addi %shift_right_arithmetic3A_145, %add3A_147 : vector<16xi32>
    %bitcast_convert_type3A_149 = tpu.bitcast %add3A_148 : vector<16xi32> -> vector<16xf32>
    %div3A = arith.divf %mul3A_143, %bitcast_convert_type3A_149 : vector<16xf32>
    %add3A_150 = arith.addf %bitcast_convert_type3A_149, %div3A : vector<16xf32>
    %mul3A_151 = arith.constant 5.000000e-01 : f32
    %mul3A_152 = vector.broadcast %mul3A_151 : f32 to vector<16xf32>
    %mul3A_153 = arith.mulf %mul3A_152, %add3A_150 : vector<16xf32>
    %div3A_154 = arith.divf %mul3A_143, %mul3A_153 : vector<16xf32>
    %add3A_155 = arith.addf %mul3A_153, %div3A_154 : vector<16xf32>
    %mul3A_156 = arith.constant 5.000000e-01 : f32
    %mul3A_157 = vector.broadcast %mul3A_156 : f32 to vector<16xf32>
    %mul3A_158 = arith.mulf %mul3A_157, %add3A_155 : vector<16xf32>
    %div3A_159 = arith.divf %mul3A_143, %mul3A_158 : vector<16xf32>
    %add3A_160 = arith.addf %mul3A_158, %div3A_159 : vector<16xf32>
    %mul3A_161 = arith.constant 5.000000e-01 : f32
    %mul3A_162 = vector.broadcast %mul3A_161 : f32 to vector<16xf32>
    %mul3A_163 = arith.mulf %mul3A_162, %add3A_160 : vector<16xf32>
    %reduce_sum3A_164 = arith.constant true
    %reduce_sum3A_165 = vector.broadcast %reduce_sum3A_164 : i1 to vector<16xi1>
    %reduce_sum3A_166 = tpu.scan <sum>, %scan3A_127#2 masked %reduce_sum3A_165 : vector<16xf32>, vector<16xi1> -> vector<16xf32>
    %reduce_sum3A_167 = vector.extract %reduce_sum3A_166[15] : f32 from vector<16xf32>
    %mul3A_168 = arith.constant 7.812500e-03 : f32
    %mul3A_169 = arith.mulf %reduce_sum3A_167, %mul3A_168 : f32
    %broadcast_in_dim3A_170 = arith.constant 1.000000e+00 : f32
    %broadcast_in_dim3A_171 = vector.broadcast %broadcast_in_dim3A_170 : f32 to vector<16xf32>
    %mul3A_172 = vector.broadcast %mul3A_169 : f32 to vector<16xf32>
    %mul3A_173 = arith.mulf %mul3A_172, %broadcast_in_dim3A_171 : vector<16xf32>
    %mul3A_174 = arith.mulf %mul3A_163, %mul3A_163 : vector<16xf32>
    %mul3A_175 = arith.mulf %mul3A_174, %mul3A_163 : vector<16xf32>
    %add3A_176 = arith.constant 1.000000e-10 : f32
    %add3A_177 = vector.broadcast %add3A_176 : f32 to vector<16xf32>
    %add3A_178 = arith.addf %mul3A_175, %add3A_177 : vector<16xf32>
    %div3A_179 = arith.divf %mul3A_173, %add3A_178 : vector<16xf32>
    %broadcast_in_dim3A_180 = arith.constant 0.000000e+00 : f32
    %broadcast_in_dim3A_181 = vector.broadcast %broadcast_in_dim3A_180 : f32 to vector<16xf32>
    %scan3A_182 = arith.constant 0 : i32
    %scan3A_183 = arith.constant 5 : i32
    %scan3A_184 = arith.addi %scan3A_182, %scan3A_183 : i32
    %scan3A_185 = arith.constant 1 : i32
    %scan3A_186 = scf.for %scan3A_207 = %scan3A_182 to %scan3A_184 step %scan3A_185 iter_args(%scan3A_208 = %broadcast_in_dim3A_181) -> (vector<16xf32>)  : i32 {
      %broadcast_in_dim3A_209 = arith.constant -1.000000e+00 : f32
      %broadcast_in_dim3A_210 = vector.broadcast %broadcast_in_dim3A_209 : f32 to vector<16xf32>
      %scan3A_211 = arith.constant 0 : i32
      %scan3A_212 = arith.constant 8 : i32
      %scan3A_213 = arith.addi %scan3A_211, %scan3A_212 : i32
      %scan3A_214 = arith.constant 1 : i32
      %scan3A_215 = scf.for %scan3A_239 = %scan3A_211 to %scan3A_213 step %scan3A_214 iter_args(%scan3A_240 = %broadcast_in_dim3A_210) -> (vector<16xf32>)  : i32 {
        %mul3A_241 = arith.constant 16 : i32
        %mul3A_242 = arith.muli %scan3A_239, %mul3A_241 : i32
        %multiple_of3A = tpu.assume_multiple %mul3A_242, 16 : i32
        %get3A_243 = arith.index_cast %multiple_of3A : i32 to index
        %get3A_244 = tpu.vector_load %arg8[%get3A_243] {strides = array<i32>} : memref<128xf32, #tpu.memory_space<vmem>>, vector<16xf32>,
        %max3A = arith.maximumf %scan3A_240, %get3A_244 : vector<16xf32>
        scf.yield %max3A : vector<16xf32>
      }
      %scan3A_216 = arith.constant 8 : i32
      %reduce_max3A = arith.constant true
      %reduce_max3A_217 = vector.broadcast %reduce_max3A : i1 to vector<16xi1>
      %reduce_max3A_218 = tpu.scan <max>, %scan3A_215 masked %reduce_max3A_217 : vector<16xf32>, vector<16xi1> -> vector<16xf32>
      %reduce_max3A_219 = vector.extract %reduce_max3A_218[15] : f32 from vector<16xf32>
      %scan3A_220 = arith.constant 0 : i32
      %scan3A_221 = arith.constant 0 : i32
      %scan3A_222 = arith.constant 8 : i32
      %scan3A_223 = arith.addi %scan3A_221, %scan3A_222 : i32
      %scan3A_224 = arith.constant 1 : i32
      %scan3A_225 = scf.for %scan3A_239 = %scan3A_221 to %scan3A_223 step %scan3A_224 iter_args(%scan3A_240 = %scan3A_220) -> (i32)  : i32 {
        %mul3A_241 = arith.constant 16 : i32
        %mul3A_242 = arith.muli %scan3A_239, %mul3A_241 : i32
        %multiple_of3A = tpu.assume_multiple %mul3A_242, 16 : i32
        %get3A_243 = arith.index_cast %multiple_of3A : i32 to index
        %get3A_244 = tpu.vector_load %arg8[%get3A_243] {strides = array<i32>} : memref<128xf32, #tpu.memory_space<vmem>>, vector<16xf32>,
        %eq3A_245 = vector.broadcast %reduce_max3A_219 : f32 to vector<16xf32>
        %eq3A_246 = arith.cmpf oeq, %get3A_244, %eq3A_245 : vector<16xf32>
        %jit3A = arith.constant -1.000000e+00 : f32
        %broadcast_in_dim3A_247 = vector.broadcast %jit3A : f32 to vector<16xf32>
        %select_n3A_248 = arith.select %eq3A_246, %broadcast_in_dim3A_247, %get3A_244 : vector<16xi1>, vector<16xf32>
        %swap3A_249 = arith.index_cast %multiple_of3A : i32 to index
        %swap3A_250 = tpu.vector_load %arg8[%swap3A_249] {strides = array<i32>} : memref<128xf32, #tpu.memory_space<vmem>>, vector<16xf32>,
        tpu.vector_store %arg8[%swap3A_249], %select_n3A_248 {strides = array<i32>} : memref<128xf32, #tpu.memory_space<vmem>>, vector<16xf32>,
        %scan3A_251 = arith.constant 0 : i32
        scf.yield %scan3A_251 : i32
      }
      %scan3A_226 = arith.constant 8 : i32
      %eq3A_227 = vector.broadcast %scan3A_207 : i32 to vector<16xi32>
      %eq3A_228 = arith.cmpi eq, %iota3A, %eq3A_227 : vector<16xi32>
      %broadcast_in_dim3A_229 = vector.broadcast %reduce_max3A_219 : f32 to vector<16xf32>
      %select_n3A_230 = arith.select %eq3A_228, %broadcast_in_dim3A_229, %scan3A_208 : vector<16xi1>, vector<16xf32>
      %eq3A_231 = arith.constant 0 : i32
      %eq3A_232 = arith.cmpi eq, %scan3A_207, %eq3A_231 : i32
      %eq3A_233 = arith.constant 6 : i32
      %eq3A_234 = vector.broadcast %eq3A_233 : i32 to vector<16xi32>
      %eq3A_235 = arith.cmpi eq, %iota3A, %eq3A_234 : vector<16xi32>
      %and3A = vector.broadcast %eq3A_232 : i1 to vector<16xi1>
      %and3A_236 = arith.andi %and3A, %eq3A_235 : vector<16xi1>
      %broadcast_in_dim3A_237 = vector.broadcast %reduce_max3A_219 : f32 to vector<16xf32>
      %select_n3A_238 = arith.select %and3A_236, %broadcast_in_dim3A_237, %select_n3A_230 : vector<16xi1>, vector<16xf32>
      scf.yield %select_n3A_238 : vector<16xf32>
    }
    %scan3A_187 = arith.constant 5 : i32
    %eq3A = arith.constant 5 : i32
    %eq3A_188 = vector.broadcast %eq3A : i32 to vector<16xi32>
    %eq3A_189 = arith.cmpi eq, %iota3A, %eq3A_188 : vector<16xi32>
    %broadcast_in_dim3A_190 = vector.broadcast %neg3A_133 : f32 to vector<16xf32>
    %select_n3A = arith.select %eq3A_189, %broadcast_in_dim3A_190, %scan3A_186 : vector<16xi1>, vector<16xf32>
    %eq3A_191 = arith.constant 7 : i32
    %eq3A_192 = vector.broadcast %eq3A_191 : i32 to vector<16xi32>
    %eq3A_193 = arith.cmpi eq, %iota3A, %eq3A_192 : vector<16xi32>
    %broadcast_in_dim3A_194 = vector.broadcast %mul3A_120 : f32 to vector<16xf32>
    %select_n3A_195 = arith.select %eq3A_193, %broadcast_in_dim3A_194, %select_n3A : vector<16xi1>, vector<16xf32>
    %eq3A_196 = arith.constant 8 : i32
    %eq3A_197 = vector.broadcast %eq3A_196 : i32 to vector<16xi32>
    %eq3A_198 = arith.cmpi eq, %iota3A, %eq3A_197 : vector<16xi32>
    %broadcast_in_dim3A_199 = vector.broadcast %mul3A_139 : f32 to vector<16xf32>
    %select_n3A_200 = arith.select %eq3A_198, %broadcast_in_dim3A_199, %select_n3A_195 : vector<16xi1>, vector<16xf32>
    %eq3A_201 = arith.constant 9 : i32
    %eq3A_202 = vector.broadcast %eq3A_201 : i32 to vector<16xi32>
    %eq3A_203 = arith.cmpi eq, %iota3A, %eq3A_202 : vector<16xi32>
    %select_n3A_204 = arith.select %eq3A_203, %div3A_179, %select_n3A_200 : vector<16xi1>, vector<16xf32>
    %swap3A_205 = arith.constant 0 : index
    %swap3A_206 = tpu.vector_load %arg9[%swap3A_205] {strides = array<i32>} : memref<16xf32, #tpu.memory_space<vmem>>, vector<16xf32>,
    tpu.vector_store %arg9[%swap3A_205], %select_n3A_204 {strides = array<i32>} : memref<16xf32, #tpu.memory_space<vmem>>, vector<16xf32>,
    "tpu.region"() ({
      %run_scoped3A = tpu.sem_alloc : memref<!tpu.dma_semaphore, #tpu.memory_space<semaphore_mem>>
      %dma_start3A_207 = arith.constant 0 : i32
      %dma_start3A_208 = tpu.memref_slice %arg4[%add3A, %dma_start3A_207] : memref<32x16xf32, #tpu.memory_space<hbm>> -> memref<1x16xf32, #tpu.memory_space<hbm>>
      %dma_start3A_209 = tpu.memref_squeeze %dma_start3A_208 : memref<1x16xf32, #tpu.memory_space<hbm>> -> memref<16xf32, #tpu.memory_space<hbm>>
      %dma_start3A_210 = arith.constant 0 : i32
      %dma_start3A_211 = tpu.memref_slice %arg4[%add3A, %dma_start3A_210] : memref<32x16xf32, #tpu.memory_space<hbm>> -> memref<1x16xf32, #tpu.memory_space<hbm>>
      %dma_start3A_212 = tpu.memref_squeeze %dma_start3A_211 : memref<1x16xf32, #tpu.memory_space<hbm>> -> memref<16xf32, #tpu.memory_space<hbm>>
      tpu.enqueue_dma source(%arg9 : memref<16xf32, #tpu.memory_space<vmem>>) target(%dma_start3A_212 : memref<16xf32, #tpu.memory_space<hbm>>) target_semaphore(%run_scoped3A : memref<!tpu.dma_semaphore, #tpu.memory_space<semaphore_mem>>)
      %dma_wait3A_213 = arith.constant 0 : i32
      %dma_wait3A_214 = tpu.memref_slice %arg4[%add3A, %dma_wait3A_213] : memref<32x16xf32, #tpu.memory_space<hbm>> -> memref<1x16xf32, #tpu.memory_space<hbm>>
      %dma_wait3A_215 = tpu.memref_squeeze %dma_wait3A_214 : memref<1x16xf32, #tpu.memory_space<hbm>> -> memref<16xf32, #tpu.memory_space<hbm>>
      %dma_wait3A_216 = arith.constant 0 : i32
      %dma_wait3A_217 = tpu.memref_slice %arg4[%add3A, %dma_wait3A_216] : memref<32x16xf32, #tpu.memory_space<hbm>> -> memref<1x16xf32, #tpu.memory_space<hbm>>
      %dma_wait3A_218 = tpu.memref_squeeze %dma_wait3A_217 : memref<1x16xf32, #tpu.memory_space<hbm>> -> memref<16xf32, #tpu.memory_space<hbm>>
      tpu.wait_dma2 semaphore(%run_scoped3A : memref<!tpu.dma_semaphore, #tpu.memory_space<semaphore_mem>>) src(%arg9 : memref<16xf32, #tpu.memory_space<vmem>>) dst(%dma_wait3A_218 : memref<16xf32, #tpu.memory_space<hbm>>)
      tpu.yield
    }) : () -> ()
    return
  }
}

</mosaic_0001>

<sc_bundles>
// kernel: kernel.3.cloned.1.call-start
scs
__scs_entry_jumppad:
0x0: {  	(pc) =	sbr.rel $0x88, $3  }
0x1: {  	(tag) =	ssettag $0x0;
	lr =	simm.s32 $0x1  }
0x2: {  	[smem:$0x3F9F] =	sst lr;
	_ =	strace $0xD0000000  }
0x3: {  	_ = 	snop  }
0x4: {  	_ = 	snop  }
0x5: {  	_ = 	snop  }
0x6: {  	_ = 	snop  }
0x7: {  	_ = 	snop  }
__scs_overlays_trampoline_lowered:
0x8: {  	[smem:$0x3FAE] =	sst s0  }
0x9: {  	[smem:$0x3FAF] =	sst s1  }
0xa: {  	[smem:$0x3FB0] =	sst s2  }
0xb: {  	[smem:$0x3FB1] =	sst s3  }
0xc: {  	[smem:$0x3FB2] =	sst s4  }
0xd: {  	[smem:$0x3FB3] =	sst s5  }
0xe: {  	[smem:$0x3FB4] =	sst s6  }
0xf: {  	[smem:$0x3FB5] =	sst s7  }
0x10: {  	[smem:$0x3FB6] =	sst s8  }
0x11: {  	[smem:$0x3FB7] =	sst s9;
	s0 =	simm.s32 @!p0 $0x0  }
0x12: {  	s1 =	sld [smem:$0x3F9D];
	s0 =	simm.s32 @p0 $0x1  }
0x13: {  	[smem:$0x3FB8] =	sst s0;
	s0 =	simm.s32 @!p1 $0x0  }
0x14: {  	s2 =	sld [smem:$0x3F9C];
	s0 =	simm.s32 @p1 $0x1  }
0x15: {  	[smem:$0x3FB9] =	sst s0;
	s0 =	simm.s32 @!p2 $0x0  }
0x16: {  	s3 =	sld [smem:$0x3FDB];
	s0 =	simm.s32 @p2 $0x1  }
0x17: {  	s4 =	simm.s32 $0x1BF5;
	[smem:$0x3FBB] =	sst s0  }
0x18: {  	s0 =	sld [smem:$0x3F9E];
	_ =	swait.ge [sflag:s4], $0x0  }
0x19: {  	s7 =	sld [smem:$0x3F9F]  }
0x1a: {  	s8 =	sadd.s32 $0xFFFFE003, lr  }
0x1b: {  	s9 =	sadd.s32 $0xFFFFFEF7, lr;
	s5 =	simm.s32 $0xFFFFFFFF;
	p2 =	slt.u32 s8, $0xFFFFF086  }
0x1c: {  	p1 =	slt.u32 s9, $0xF7A;
	s5 =	simm.s32 @!p2 $0x0  }
0x1d: {  	s5 =	simm.s32 @p1 $0x1;
	p0 =	seq.s32 s7, s2  }
0x1e: {  	s7 =	smul.u32 @!p0 $0xF7A, s2;
	p2 =	seq.s32 @!p0 s5, $0x0  }
0x1f: {  	s9 =	smul.u32 $0xF7A, s1;
	s8 =	simm.s32 @!p0 $0x1BF5;
	p2 =	por !p2, p0  }
0x20: {  	[sflag:s8] =	ssyncset.s32 @!p0 $0xFFFFF086;
	s6 =	sadd.s32 @!p0 s3, s7;
	s7 =	simm.s32 @!p0 $0x108  }
0x21: {  	s3 =	sadd.s32 s3, s9;
	s6 =	sadd.s32 @!p0 $0x88, s6;
	s7 =	simm.s32 @p2 $0x1082  }
0x22: {  	[simem:s7], [sflag:s8] =	dma.local @!p0 [hbm:s6], $0xF7A  }
0x23: {  	s9 =	sor.u32 $0xD0000000, s2;
	s6 =	simm.s32 $0x108;
	_ =	swait.ge @!p0 [sflag:s8], $0x0  }
0x24: {  	s3 =	sadd.s32 $0x88, s3;
	s6 =	simm.s32 @!p1 $0x1082;
	[sflag:s4] =	ssyncset.s32 $0xFFFFF086  }
0x25: {  	[simem:s6], [sflag:s4] =	dma.local [hbm:s3], $0xF7A  }
0x26: {  	[smem:$0x3F9F] =	sst s1;
	(tag) =	ssettag s2;
	_ =	strace s9  }
0x27: {  	s1 =	sld [smem:$0x3FAF]  }
0x28: {  	s2 =	sld [smem:$0x3FB0]  }
0x29: {  	s4 =	sld [smem:$0x3FB2]  }
0x2a: {  	p0 =	seq.s32 s5, $0x0;
	s5 =	sld [smem:$0x3FB3]  }
0x2b: {  	s6 =	sld [smem:$0x3FB4]  }
0x2c: {  	s7 =	sld [smem:$0x3FB5]  }
0x2d: {  	s3 =	simm.s32 $0x108;
	s8 =	sld [smem:$0x3FB6]  }
0x2e: {  	s3 =	simm.s32 @!p0 $0x1082;
	s9 =	sld [smem:$0x3FB7]  }
0x2f: {  	lr =	sadd.s32 s0, s3;
	s0 =	sld [smem:$0x3FAE]  }
0x30: {  	s3 =	sld [smem:$0x3FB1]  }
0x31: {  	[smem:$0x3FBA] =	sst s10  }
0x32: {  	s10 =	sld [smem:$0x3FB8];
	_ =	sdelay $0x3  }
0x33: {  	p0 =	seq.s32 s10, $0x1;
	s10 =	sld [smem:$0x3FBA];
	_ =	sdelay $0x3  }
0x34: {  	[smem:$0x3FBA] =	sst s10  }
0x35: {  	s10 =	sld [smem:$0x3FB9];
	_ =	sdelay $0x3  }
0x36: {  	p1 =	seq.s32 s10, $0x1;
	s10 =	sld [smem:$0x3FBA];
	_ =	sdelay $0x3  }
0x37: {  	[smem:$0x3FBA] =	sst s10  }
0x38: {  	s10 =	sld [smem:$0x3FBB]  }
0x39: {  	_ = 	snop;
	(pc) =	sbr.ind lr, $3  }
0x3a: {  	_ = 	snop  }
0x3b: {  	_ = 	snop  }
0x3c: {  	p2 =	seq.s32 s10, $0x1;
	s10 =	sld [smem:$0x3FBA]  }
0x3d: {  	_ =	shalt  }
0x3e: {  	_ =	shalt  }
0x3f: {  	_ =	shalt  }
0x40: {  	_ =	shalt  }
0x41: {  	_ =	shalt  }
0x42: {  	_ =	shalt  }
0x43: {  	_ =	shalt  }
0x44: {  	_ =	shalt  }
0x45: {  	_ =	shalt  }
0x46: {  	_ =	shalt  }
0x47: {  	_ =	shalt  }
0x48: {  	_ =	shalt  }
0x49: {  	_ =	shalt  }
0x4a: {  	_ =	shalt  }
0x4b: {  	_ =	shalt  }
0x4c: {  	_ =	shalt  }
0x4d: {  	_ =	shalt  }
0x4e: {  	_ =	shalt  }
0x4f: {  	_ =	shalt  }
0x50: {  	_ =	shalt  }
0x51: {  	_ =	shalt  }
0x52: {  	_ =	shalt  }
0x53: {  	_ =	shalt  }
0x54: {  	_ =	shalt  }
0x55: {  	_ =	shalt  }
0x56: {  	_ =	shalt  }
0x57: {  	_ =	shalt  }
0x58: {  	_ =	shalt  }
0x59: {  	_ =	shalt  }
0x5a: {  	_ =	shalt  }
0x5b: {  	_ =	shalt  }
0x5c: {  	_ =	shalt  }
0x5d: {  	_ =	shalt  }
0x5e: {  	_ =	shalt  }
0x5f: {  	_ =	shalt  }
0x60: {  	_ =	shalt  }
0x61: {  	_ =	shalt  }
0x62: {  	_ =	shalt  }
0x63: {  	_ =	shalt  }
0x64: {  	_ =	shalt  }
0x65: {  	_ =	shalt  }
0x66: {  	_ =	shalt  }
0x67: {  	_ =	shalt  }
0x68: {  	_ =	shalt  }
0x69: {  	_ =	shalt  }
0x6a: {  	_ =	shalt  }
0x6b: {  	_ =	shalt  }
0x6c: {  	_ =	shalt  }
0x6d: {  	_ =	shalt  }
0x6e: {  	_ =	shalt  }
0x6f: {  	_ =	shalt  }
0x70: {  	_ =	shalt  }
0x71: {  	_ =	shalt  }
0x72: {  	_ =	shalt  }
0x73: {  	_ =	shalt  }
0x74: {  	_ =	shalt  }
0x75: {  	_ =	shalt  }
0x76: {  	_ =	shalt  }
0x77: {  	_ =	shalt  }
0x78: {  	_ =	shalt  }
0x79: {  	_ =	shalt  }
0x7a: {  	_ =	shalt  }
0x7b: {  	_ =	shalt  }
0x7c: {  	_ =	shalt  }
0x7d: {  	_ =	shalt  }
0x7e: {  	_ =	shalt  }
0x7f: {  	_ =	shalt  }
0x80: {  	_ =	shalt  }
0x81: {  	_ =	shalt  }
0x82: {  	_ =	shalt  }
0x83: {  	_ =	shalt  }
0x84: {  	_ =	shalt  }
0x85: {  	_ =	shalt  }
0x86: {  	_ =	shalt  }
0x87: {  	_ =	shalt  }
.Lfunc_end0:
.L_simem_size_0:
called_computation_lowered:
.L_overlay_start_0:
0x88: {  	s2 =	sld [smem:$0x3FD9]  }
0x89: {  	s3 =	sld [smem:$0x3FFE];
	_ =	sdelay $0x1  }
0x8a: {  	s1 =	srdreg.scid  }
0x8b: {  	s0 =	sand.u32 $0x1, s1  }
0x8c: {  	s17 =	sshll.u32 s0, $0xA;
	s2 =	sadd.s32 s3, s2  }
0x8d: {  	s2 =	sadd.s32 s2, s17  }
0x8e: {  	[smem:$0x3FC6] =	sst s2  }
0x8f: {  	_ = 	snop  }
0x90: {  	s2 =	sld [smem:$0x3FC9]  }
0x91: {  	s18 =	sld [smem:$0x3FD0];
	(tm) =	ssettm $0x1  }
0x92: {  	s4 =	sld [smem:$0x3FFB];
	_ =	sdelay $0x3  }
0x93: {  	_ =	strace s4  }
0x94: {  	s4 =	sld [smem:$0x3FFC];
	_ =	sdelay $0x3  }
0x95: {  	_ =	strace s4  }
0x96: {  	s4 =	sld [smem:$0x3FFD];
	_ =	sdelay $0x3  }
0x97: {  	_ =	strace s4  }
0x98: {  	_ =	strace $0x8FFFFFFF  }
0x99: {  	s19 =	sld [smem:$0x3FDB];
	_ =	sdelay $0x1  }
0x9a: {  	s5 =	simm.s32 $_scs_section_size  }
0x9b: {  	s6 =	simm.s32 $_size__tile_overlayer_lowered;
	s7 =	simm.s32 $_tile_overlayer_lowered  }
0x9c: {  	s22 =	simm.s32 $0x1BFF;
	s21 =	sshll.u32 s7, $0x1;
	s4 =	sadd.s32 s5, s19  }
0x9d: {  	s8 =	simm.s32 $0x0;
	s20 =	sshll.u32 s6, $0x1;
	s6 =	sadd.s32 s21, s4  }
0x9e: {  	[timem:s8], [sflag:s22] =	dma.local [hbm:s6], s20  }
0x9f: {  	_ =	swait.ge [sflag:s22], s20  }
0xa0: {  	s5 =	ssub.s32 $0x0, s20;
	[sflag:s22] =	ssyncset.done $0x0  }
0xa1: {  	[sflag:s22] =	ssyncadd.s32 s5;
	_ =	sdelay $0x1  }
0xa2: {  	s23 =	simm.s32 $0x1B8B  }
0xa3: {  	_ =	swait.ge [sflag:s23], $0x1  }
0xa4: {  	[sflag:s23] =	ssyncset.done $0x0  }
0xa5: {  	s25 =	simm.s32 $0x1B8E;
	s24 =	sld [smem:$0x3FFE];
	[sflag:s23] =	ssyncadd.s32 $0xFFFFFFFF  }
0xa6: {  	s26 =	simm.s32 $execute0_lowered;
	[smem:$0x3FD2] =	sst s25  }
0xa7: {  	s6 =	sshll.u32 s26, $0x1;
	_ =	strace $0x80000046;
	[dreg:$0x1] =	wrdreg $0xFFFFFFFF  }
0xa8: {  	s28 =	simm.s32 $_size_execute0_lowered;
	s4 =	sadd.s32 s4, s6;
	[dreg:$0x0] =	wrdreg $0x0  }
0xa9: {  	s6 =	sshll.u32 s28, $0x1;
	[dreg:$0x2] =	wrdreg s4  }
0xaa: {  	[dreg:$0x3] =	wrdreg s6  }
0xab: {  	[dreg:$0x4] =	wrdreg $0xC0  }
0xac: {  	_ =	task [dreg:s8], $0x5FFFF  }
0xad: {  	[dreg:$0x1] =	wrdreg $0xFFFFFFFF  }
0xae: {  	[dreg:$0x0] =	wrdreg $0x60  }
0xaf: {  	[dreg:$0x2] =	wrdreg s2  }
0xb0: {  	[dreg:$0x3] =	wrdreg s18  }
0xb1: {  	[dreg:$0x4] =	wrdreg s24  }
0xb2: {  	[dreg:$0x5] =	wrdreg $0x9  }
0xb3: {  	_ =	task.clear_ibuf [dreg:s8], $0x6FFFF;
	_ =	strace $0x90000046  }
0xb4: {  	s29 =	simm.s32 $0x9;
	_ =	strace $0x80000048  }
0xb5: {  	_ =	swait.ge [sflag:s29], $0x1  }
0xb6: {  	[sflag:s29] =	ssyncadd.s32 $0xFFFFFFFF  }
0xb7: {  	_ =	strace $0x90000048  }
0xb8: {  	_ =	sfence  }
0xb9: {  	s30 =	sld [smem:$0x0];
	_ =	sdelay $0x2  }
0xba: {  	s31 =	sshll.u32 s1, $0xD;
	s1 =	sshrl.u32 s1, $0x2  }
0xbb: {  	s3 =	sand.u32 $0x4000, s31;
	s1 =	sadd.s32 s1, s30  }
0xbc: {  	s0 =	sor.u32 s3, s0;
	s1 =	sshll.u32 s1, $0x11  }
0xbd: {  	s0 =	sor.u32 s1, s0  }
0xbe: {  	s0 =	sadd.s32 $0x8F2B, s0  }
0xbf: {  	[sflag:s0] =	ssyncadd.remote.s32 $0x1  }
0xc0: {  	_ =	sfence.sel $0xFFFF  }
0xc1: {  	[dreg:$0x0] =	wrdreg $0xFFFFFFFF;
	(pc) =	sbr.abs _section_cstart, $3  }
0xc2: {  	[dreg:$0x1] =	wrdreg $0xFFFFFFFF  }
0xc3: {  	_ =	task.clear_ibuf [dreg:s8], $0x2FFFF;
	_ =	strace $0x9FFFFFFF  }
0xc4: {  	(tm) =	ssettm $0x7FFFFFFF  }
0xc5: {  	_ =	shalt  }
tec
execute0_lowered:
.L_overlay_start_1:
0x0: {  	(tag) =	ssettag $0x1  }
0x1: {  	s1 =	rddreg [dreg:$0x0]  }
0x2: {  	s2 =	rddreg [dreg:$0x1]  }
0x3: {  	s5 =	rddreg [dreg:$0x2]  }
0x4: {  	s3 =	srdreg.scid;
	s0 =	rddreg [dreg:$0x3];
	s4 =	simm.s32 $0x0  }
0x5: {  	s10 =	simm.s32 $0x180;
	s11 =	simm.s32 $0xC8;
	s12 =	simm.s32 $0x2580  }
0x6: {  	s13 =	simm.s32 $0x1;
	s14 =	simm.s32 $0x4A00;
	s15 =	simm.s32 $0x0  }
0x7: {  	s6 =	sand.u32 $0x1, s3;
	s3 =	stileid.u32;
	[smem:$0x7FF] =	sst s4  }
0x8: {  	s7 =	sshll.u32 s6, $0x4;
	s8 =	sshll.u32 s3, $0x4;
	s6 =	ssub.s32 $0x2, s6  }
0x9: {  	_ =	strace $0x80000047;
	s7 =	sor.u32 s3, s7;
	s8 =	sand.u32 $0x70, s8  }
0xa: {  	s31 =	sshrl.u32 s6, $0x1;
	s9 =	sshll.u32 s7, $0x4;
	s5 =	sadd.s32 s8, s5  }
0xb: {  	v1 =	vlaneseq.u32;
	vm0 =	vcmask $0x1B18;
	s6 =	ssub.s32 s6, s31;
	s7 =	smul.u32 $0x4800, s7;
	s9 =	sand.u32 $0x180, s9  }
0xc: {  	vm1 =	vcmask $0x300;
	vm2 =	vcmask $0x2328;
	v2 =	vmul.u32 $0x80, v1;
	s8 =	simm.s32 $0x48;
	s6 =	smax.u32 s6, $0x1;
	s5 =	sadd.s32 s9, s5  }
0xd: {  	vm0 =	vmor vm1, vm0;
	vm1 =	vcmask $0x2320;
	v0 =	vmov s7;
	s7 =	simm.s32 $0x2;
	s9 =	simm.s32 $0x80;
	s5 =	sadd.s32 $0x400, s5  }
.LBB2_1:
0xe: {  	[tilespmem:s4], [sflag:$0x2] =	stream.linear.gather [hbm4b:s2+s4], $0x80, $0x38;
	[tilespmem:$0x4A80] =	vst v63  }
0xf: {  	_ =	swait.ge [sflag:s7], $0x80  }
0x10: {  	[sflag:s7] =	ssyncset.done $0x0  }
0x11: {  	[sflag:s7] =	ssyncadd.s32 $0xFFFFFF80  }
0x12: {  	v3 =	vld [tilespmem:$0x0];
	_ =	sdelay $0x2  }
0x13: {  	v4 =	vmov s4  }
0x14: {  	v4 =	vshll.u32 v4, $0x7  }
0x15: {  	v4 =	vor.u32 v2, v4;
	v3 =	vadd.s32 v0, v3  }
0x16: {  	v4 =	vadd.s32 v4, v3  }
0x17: {  	s16 =	simm.s32 $0x10;
	s17 =	simm.s32 $0x80;
	[tilespmem:s9+$0x0] =	vst v4  }
.LBB2_2:
0x18: {  	p0 =	sne.s32 s16, $0x80  }
.Ltmp0:
0x19: {  	v4 =	vmov s16;
	s16 =	sadd.s32 $0x10, s16;
	(pc) =	sbr.rel @p0 .LBB2_2-.Ltmp0, $4  }
0x1a: {  	v4 =	vshll.u32 v4, $0x7  }
0x1b: {  	v4 =	vor.u32 v2, v4  }
0x1c: {  	s17 =	sadd.s32 $0x10, s17;
	v4 =	vadd.s32 v4, v3  }
0x1d: {  	[tilespmem:s17+$0x0] =	vst v4  }
0x1e: {  	[tilespmem:s10], [sflag:$0x1] =	stream.indirect.gather [hbm4b:s1+s8], $0x80, s9, s8, $0xb8;
	[tilespmem:$0x4A80] =	vst v63  }
0x1f: {  	_ = 	snop  }
0x20: {  	[tilespmem:s12], [sflag:$0x1] =	stream.indirect.gather [hbm4b:s1+s8], $0x80, s11, s8, $0xb8;
	[tilespmem:$0x4A80] =	vst v63  }
0x21: {  	_ =	swait.ge [sflag:s13], $0x2400  }
0x22: {  	[sflag:s13] =	ssyncset.done $0x0  }
0x23: {  	s16 =	simm.s32 $0x0;
	[sflag:s13] =	ssyncadd.s32 $0xFFFFDC00  }
0x24: {  	v5 =	vld [tilespmem:s16+$0x200]  }
0x25: {  	v9 =	vld [tilespmem:s16+$0x210]  }
0x26: {  	v8 =	vld [tilespmem:s16+$0x220]  }
0x27: {  	v10 =	vld [tilespmem:s16+$0x230]  }
0x28: {  	v3 =	vld [tilespmem:s16+$0x240]  }
0x29: {  	v4 =	vld [tilespmem:s16+$0x250]  }
0x2a: {  	v26 =	vld [tilespmem:s16+$0x180]  }
0x2b: {  	v28 =	vld [tilespmem:s16+$0x190]  }
0x2c: {  	v25 =	vld [tilespmem:s16+$0x1A0]  }
0x2d: {  	v27 =	vld [tilespmem:s16+$0x1B0]  }
0x2e: {  	v7 =	vimm.f32 $0.0e+00;
	v19 =	vimm.f32 $0.0e+00;
	v22 =	vld [tilespmem:s16+$0x1C0]  }
0x2f: {  	v20 =	vimm.f32 $0.0e+00;
	v21 =	vimm.f32 $0.0e+00;
	v15 =	vimm.f32 $0.0e+00;
	v23 =	vld [tilespmem:s16+$0x1D0]  }
0x30: {  	s17 =	simm.s32 $0x400;
	v18 =	vimm.f32 $0.0e+00;
	v16 =	vimm.f32 $0.0e+00;
	v17 =	vimm.f32 $0.0e+00;
	v24 =	vld [tilespmem:s16+$0x1E0]  }
.LBB2_4:
0x31: {  	p0 =	sne.s32 s17, $0x8C00;
	v6 =	vadd.f32 v26, v7;
	v11 =	vadd.f32 v28, v19;
	v12 =	vld [tilespmem:s16+$0x1F0]  }
0x32: {  	v13 =	vadd.f32 v25, v20;
	v14 =	vadd.f32 v27, v21;
	v25 =	vld [tilespmem:s16+$0x260]  }
0x33: {  	v7 =	vadd.f32 v5, v6;
	v19 =	vadd.f32 v9, v11;
	v6 =	vld [tilespmem:s16+$0x270];
	s16 =	sshra.s32 s17, $0x2  }
0x34: {  	v20 =	vadd.f32 v8, v13;
	v5 =	vld [tilespmem:s16+$0x200];
	v21 =	vadd.f32 v10, v14  }
0x35: {  	v11 =	vadd.f32 v22, v15;
	v13 =	vadd.f32 v23, v18;
	v9 =	vld [tilespmem:s16+$0x210]  }
0x36: {  	v14 =	vadd.f32 v24, v16;
	v8 =	vld [tilespmem:s16+$0x220];
	v12 =	vadd.f32 v12, v17  }
0x37: {  	v15 =	vadd.f32 v3, v11;
	v18 =	vadd.f32 v4, v13;
	v10 =	vld [tilespmem:s16+$0x230]  }
0x38: {  	v16 =	vadd.f32 v25, v14;
	v3 =	vld [tilespmem:s16+$0x240];
	v17 =	vadd.f32 v6, v12  }
0x39: {  	v4 =	vld [tilespmem:s16+$0x250]  }
0x3a: {  	v26 =	vld [tilespmem:s16+$0x180]  }
0x3b: {  	v28 =	vld [tilespmem:s16+$0x190]  }
.Ltmp1:
0x3c: {  	v25 =	vld [tilespmem:s16+$0x1A0];
	(pc) =	sbr.rel @p0 .LBB2_4-.Ltmp1, $4  }
0x3d: {  	v27 =	vld [tilespmem:s16+$0x1B0]  }
0x3e: {  	v22 =	vld [tilespmem:s16+$0x1C0]  }
0x3f: {  	v23 =	vld [tilespmem:s16+$0x1D0]  }
0x40: {  	s17 =	sadd.s32 $0x400, s17;
	v24 =	vld [tilespmem:s16+$0x1E0]  }
0x41: {  	v29 =	vld [tilespmem:s16+$0x1F0]  }
0x42: {  	v30 =	vld [tilespmem:s16+$0x260]  }
0x43: {  	v31 =	vld [tilespmem:s16+$0x270];
	_ =	swait.ge [sflag:s13], $0x2400  }
0x44: {  	[sflag:s13] =	ssyncset.done $0x0  }
0x45: {  	s16 =	simm.s32 $0x0;
	[sflag:s13] =	ssyncadd.s32 $0xFFFFDC00  }
0x46: {  	v12 =	vld [tilespmem:s16+$0x2600]  }
0x47: {  	v14 =	vld [tilespmem:s16+$0x2610]  }
0x48: {  	v11 =	vld [tilespmem:s16+$0x2620]  }
0x49: {  	v13 =	vld [tilespmem:s16+$0x2630]  }
0x4a: {  	v6 =	vld [tilespmem:s16+$0x2640]  }
0x4b: {  	v26 =	vadd.f32 v26, v7;
	v19 =	vadd.f32 v28, v19;
	v7 =	vld [tilespmem:s16+$0x2650]  }
0x4c: {  	v20 =	vadd.f32 v25, v20;
	v27 =	vadd.f32 v27, v21;
	v25 =	vld [tilespmem:s16+$0x2580]  }
0x4d: {  	v5 =	vadd.f32 v5, v26;
	v19 =	vadd.f32 v9, v19;
	v26 =	vld [tilespmem:s16+$0x2590]  }
0x4e: {  	v21 =	vadd.f32 v8, v20;
	v20 =	vadd.f32 v10, v27;
	v27 =	vld [tilespmem:s16+$0x25A0]  }
0x4f: {  	v8 =	vadd.f32 v22, v15;
	v9 =	vadd.f32 v23, v18;
	v22 =	vld [tilespmem:s16+$0x25B0]  }
0x50: {  	v18 =	vld [tilespmem:s16+$0x25D0];
	v16 =	vadd.f32 v24, v16;
	v23 =	vadd.f32 v29, v17  }
0x51: {  	v15 =	vadd.f32 v3, v8;
	v17 =	vld [tilespmem:s16+$0x25C0];
	v10 =	vadd.f32 v4, v9  }
0x52: {  	s17 =	simm.s32 $0x400;
	v9 =	vadd.f32 v30, v16;
	v16 =	vld [tilespmem:s16+$0x25E0];
	v8 =	vadd.f32 v31, v23  }
.LBB2_6:
0x53: {  	p0 =	sne.s32 s17, $0x8C00;
	v3 =	vadd.f32 v25, v5;
	v4 =	vadd.f32 v26, v19;
	v23 =	vld [tilespmem:s16+$0x25F0]  }
0x54: {  	v21 =	vadd.f32 v27, v21;
	v20 =	vadd.f32 v22, v20;
	v22 =	vld [tilespmem:s16+$0x2660]  }
0x55: {  	v5 =	vadd.f32 v12, v3;
	v19 =	vadd.f32 v14, v4;
	v3 =	vld [tilespmem:s16+$0x2670];
	s16 =	sshra.s32 s17, $0x2  }
0x56: {  	v21 =	vadd.f32 v11, v21;
	v12 =	vld [tilespmem:s16+$0x2600];
	v20 =	vadd.f32 v13, v20  }
0x57: {  	v4 =	vadd.f32 v17, v15;
	v10 =	vadd.f32 v18, v10;
	v14 =	vld [tilespmem:s16+$0x2610]  }
0x58: {  	v9 =	vadd.f32 v16, v9;
	v11 =	vld [tilespmem:s16+$0x2620];
	v8 =	vadd.f32 v23, v8  }
0x59: {  	v15 =	vadd.f32 v6, v4;
	v10 =	vadd.f32 v7, v10;
	v13 =	vld [tilespmem:s16+$0x2630]  }
0x5a: {  	v9 =	vadd.f32 v22, v9;
	v6 =	vld [tilespmem:s16+$0x2640];
	v8 =	vadd.f32 v3, v8  }
0x5b: {  	v7 =	vld [tilespmem:s16+$0x2650]  }
0x5c: {  	v25 =	vld [tilespmem:s16+$0x2580]  }
0x5d: {  	v26 =	vld [tilespmem:s16+$0x2590]  }
.Ltmp2:
0x5e: {  	v27 =	vld [tilespmem:s16+$0x25A0];
	(pc) =	sbr.rel @p0 .LBB2_6-.Ltmp2, $4  }
0x5f: {  	v22 =	vld [tilespmem:s16+$0x25B0]  }
0x60: {  	v17 =	vld [tilespmem:s16+$0x25C0]  }
0x61: {  	v18 =	vld [tilespmem:s16+$0x25D0]  }
0x62: {  	s17 =	sadd.s32 $0x400, s17;
	v16 =	vld [tilespmem:s16+$0x25E0]  }
0x63: {  	v3 =	vadd.f32 v25, v5;
	_ =	sdelay $0x1  }
0x64: {  	v4 =	vadd.f32 v26, v19;
	v3 =	vadd.f32 v12, v3  }
0x65: {  	v12 =	vadd.f32 v22, v20  }
0x66: {  	v5 =	vadd.f32 v27, v21;
	v4 =	vadd.f32 v14, v4;
	v3 =	vmul.f32 $6.944444500e-03, v3  }
0x67: {  	v14 =	vadd.f32 v17, v15;
	v12 =	vadd.f32 v13, v12;
	v13 =	vld [tilespmem:s16+$0x25F0]  }
0x68: {  	v5 =	vadd.f32 v11, v5;
	v15 =	vld [tilespmem:s16+$0x2660];
	v4 =	vmul.f32 $6.944444500e-03, v4;
	v11 =	vadd.f32 $0.0e+00, v3  }
0x69: {  	v10 =	vadd.f32 v18, v10;
	v14 =	vadd.f32 v6, v14;
	v6 =	vmul.f32 $6.944444500e-03, v12;
	v12 =	vld [tilespmem:s16+$0x2670]  }
0x6a: {  	v5 =	vmul.f32 $6.944444500e-03, v5;
	v11 =	vadd.f32 v4, v11  }
0x6b: {  	v9 =	vadd.f32 v16, v9;
	v10 =	vadd.f32 v7, v10;
	[tilespmem:$0x4980] =	vst v3  }
0x6c: {  	[tilespmem:$0x4990] =	vst v4;
	v13 =	vadd.f32 v13, v8;
	v11 =	vadd.f32 v5, v11  }
0x6d: {  	v7 =	vmul.f32 $6.944444500e-03, v14;
	[tilespmem:$0x49A0] =	vst v5;
	v9 =	vadd.f32 v15, v9  }
0x6e: {  	[tilespmem:$0x49B0] =	vst v6;
	v8 =	vmul.f32 $6.944444500e-03, v10;
	v10 =	vadd.f32 v12, v13;
	v11 =	vadd.f32 v6, v11  }
0x6f: {  	[tilespmem:$0x49C0] =	vst v7;
	v9 =	vmul.f32 $6.944444500e-03, v9  }
0x70: {  	[tilespmem:$0x49D0] =	vst v8;
	v10 =	vmul.f32 $6.944444500e-03, v10;
	v11 =	vadd.f32 v7, v11  }
0x71: {  	[tilespmem:$0x49E0] =	vst v9  }
0x72: {  	s26 =	simm.s32 $0x0;
	[tilespmem:$0x49F0] =	vst v10;
	v11 =	vadd.f32 v8, v11  }
0x73: {  	v19 =	vld [tilespmem:s26+$0x4980]  }
0x74: {  	v11 =	vadd.f32 v9, v11;
	_ =	sdelay $0x1  }
0x75: {  	v11 =	vadd.f32 v10, v11;
	_ =	sdelay $0x1  }
0x76: {  	s28 =	simm.s32 $0x10;
	v13 =	vadd.f32 $1.000000010e-10, v19;
	(xrf2) =	vadd.scan.msk.f32 $0xffff, v11  }
0x77: {  	v15 =	vld [tilespmem:s28+$0x4980]  }
0x78: {  	v11 =	vand.u32 $0x7FFFFF, v13  }
0x79: {  	v14 =	vor.u32 $0x3F800000, v11  }
0x7a: {  	v11 =	vadd.f32 $1.000000000e+00, v14;
	_ =	sdelay $0x1  }
0x7b: {  	v16 =	vadd.f32 $1.000000010e-10, v15;
	(erf) = vrcp.f32 v11;
	_ =	sdelay $0x1  }
0x7c: {  	s29 =	simm.s32 $0x20;
	v11 =	vand.u32 $0x7FFFFF, v16  }
0x7d: {  	v17 =	vor.u32 $0x3F800000, v11;
	v11 =	vld [tilespmem:s29+$0x4980]  }
0x7e: {  	v12, _, _ =	vpop (xrf2)  }
0x7f: {  	(v2sf) =	vpush v12, $0xF;
	v12 =	vadd.f32 $1.000000000e+00, v17;
	_ =	sdelay $0x1  }
0x80: {  	(erf) = vrcp.f32 v12  }
0x81: {  	v20 =	vadd.f32 $1.000000010e-10, v11;
	v12 =	vadd.f32 $-1.000000000e+00, v14  }
0x82: {  	v14 =	vpop (erf)  }
0x83: {  	v18 =	vmul.f32 v14, v12;
	v12 =	vand.u32 $0x7FFFFF, v20  }
0x84: {  	v25 =	vor.u32 $0x3F800000, v12  }
0x85: {  	s17 =	simm.s32 $0x30;
	v21 =	vmul.f32 v18, v18;
	v22 =	vadd.f32 $1.000000000e+00, v25  }
0x86: {  	v12 =	vld [tilespmem:s17+$0x4980]  }
0x87: {  	v14 =	vmul.f32 $2.857142980e-01, v21  }
0x88: {  	v17 =	vadd.f32 $-1.000000000e+00, v17  }
0x89: {  	(erf) = vrcp.f32 v22;
	v14 =	vadd.f32 $4.000000060e-01, v14;
	v22 =	vpop (erf)  }
0x8a: {  	v24 =	vmul.f32 v22, v17  }
0x8b: {  	v23 =	vimm.f32 $0.0e+00;
	v26 =	vadd.f32 $1.000000010e-10, v12;
	v14 =	vmul.f32 v14, v21  }
0x8c: {  	v13 =	vshra.s32 v13, $0x17;
	v37 =	vshra.s32 v16, $0x17;
	v35 =	vmul.f32 v24, v24  }
0x8d: {  	s31 =	simm.s32 $0x40;
	v31 =	vadd.s32 $0xFFFFFF81, v13;
	v27 =	vand.u32 $0x7FFFFF, v26;
	v16 =	vadd.f32 $6.666666860e-01, v14;
	s30 =	spop (v2sf)  }
0x8e: {  	v13 =	vld [tilespmem:s31+$0x4980];
	v25 =	vadd.f32 $-1.000000000e+00, v25;
	v33 =	vor.u32 $0x3F800000, v27;
	s16 =	smul.f32 $7.812500000e-03, s30;
	v29 =	vmul.f32 $2.857142980e-01, v35  }
0x8f: {  	v27 =	vshra.s32 v20, $0x17;
	v16 =	vmul.f32 v16, v21;
	v21 =	vcvt.s32.f32 v31  }
0x90: {  	v20 =	vshra.s32 v26, $0x17;
	v31 =	vadd.f32 $1.000000000e+00, v33;
	v30 =	vmov s16  }
0x91: {  	v29 =	vadd.f32 $4.000000060e-01, v29;
	v16 =	vadd.f32 $2.000000000e+00, v16;
	v34 =	vmul.f32 $6.931471820e-01, v21  }
0x92: {  	(erf) = vrcp.f32 v31;
	v28 =	vsub.f32 v19, v30;
	v22 =	vsub.f32 v15, v30  }
0x93: {  	v21 =	vpop (erf);
	v26 =	vmul.f32 v29, v35;
	v16 =	vmul.f32 v16, v18;
	v18 =	vadd.f32 $1.000000010e-10, v13  }
0x94: {  	v17 =	vsub.f32 v11, v30;
	v14 =	vsub.f32 v12, v30;
	v25 =	vmul.f32 v21, v25  }
0x95: {  	v36 =	vmul.f32 v28, v28;
	v21 =	vsub.f32 v13, v30;
	v38 =	vadd.f32 $6.666666860e-01, v26  }
0x96: {  	v31 =	vmovc v22;
	v39 =	vadd.f32 v16, v34;
	v16 =	vshra.s32 v18, $0x17;
	v40 =	vand.u32 $0x7FFFFF, v18  }
0x97: {  	s17 =	simm.s32 $0x140;
	v34 =	vimm.f32 $0.0e+00;
	v32 =	vmul.f32 v25, v25;
	v29 =	vadd.f32 v36, v23;
	v26 =	vmovc v17;
	v18 =	vmovc v14  }
.LBB2_8:
0x98: {  	v41 =	vmovc v22;
	v22 =	vmov v17;
	v17 =	vmov v14;
	v14 =	vmov v21  }
0x99: {  	s18 =	sshra.s32 s17, $0x2;
	p0 =	sne.s32 s17, $0x1C0;
	s17 =	sadd.s32 $0x40, s17;
	v21 =	vmul.f32 $2.857142980e-01, v32;
	v37 =	vadd.s32 $0xFFFFFF81, v37;
	v39 =	vmul.f32 v39, v19;
	v19 =	vmovc v15;
	v15 =	vmovc v11  }
0x9a: {  	v40 =	vor.u32 $0x3F800000, v40;
	v35 =	vmul.f32 v38, v35;
	v11 =	vmovc v12;
	v12 =	vmovc v13;
	v37 =	vcvt.s32.f32 v37;
	v13 =	vld [tilespmem:s18+$0x4980]  }
0x9b: {  	v36 =	vmul.f32 v36, v28;
	v28 =	vmovc v31;
	v31 =	vmovc v26;
	v38 =	vadd.f32 $1.000000000e+00, v40;
	v21 =	vadd.f32 $4.000000060e-01, v21  }
0x9c: {  	v42 =	vadd.f32 $-1.000000000e+00, v33;
	v26 =	vmovc v18;
	v33 =	vmovc v40;
	v43 =	vadd.f32 $2.000000000e+00, v35;
	v37 =	vmul.f32 $6.931471820e-01, v37  }
.Ltmp3:
0x9d: {  	v23 =	vadd.f32 v36, v23;
	v21 =	vmul.f32 v21, v32;
	(erf) = vrcp.f32 v38;
	v18 =	vpop (erf);
	(pc) =	sbr.rel @p0 .LBB2_8-.Ltmp3, $4  }
0x9e: {  	v34 =	vadd.f32 v39, v34;
	v40 =	vmul.f32 v43, v24;
	v24 =	vmovc v25;
	v25 =	vmul.f32 v18, v42  }
0x9f: {  	v36 =	vmul.f32 v41, v28;
	v35 =	vmovc v32;
	v38 =	vadd.f32 $6.666666860e-01, v21;
	v18 =	vmovc v14;
	v42 =	vadd.f32 $1.000000010e-10, v13  }
0xa0: {  	v39 =	vadd.f32 v40, v37;
	v21 =	vsub.f32 v13, v30;
	v37 =	vmovc v27;
	v32 =	vmul.f32 v25, v25  }
0xa1: {  	v29 =	vadd.f32 v36, v29;
	v27 =	vmovc v20;
	v20 =	vmovc v16;
	v40 =	vand.u32 $0x7FFFFF, v42;
	v16 =	vshra.s32 v42, $0x17  }
0xa2: {  	v30 =	vor.u32 $0x3F800000, v40;
	v19 =	vmul.f32 v39, v19;
	v44 =	vmul.f32 $2.857142980e-01, v32  }
0xa3: {  	v37 =	vadd.s32 $0xFFFFFF81, v37;
	v46 =	vmax.f32 v3, $-1.000000000e+00;
	v40 =	vadd.f32 $1.000000000e+00, v30  }
0xa4: {  	v35 =	vmul.f32 v38, v35;
	v28 =	vmul.f32 v36, v28;
	v36 =	vmax.f32 v46, v4  }
0xa5: {  	v33 =	vadd.f32 $-1.000000000e+00, v33;
	v36 =	vmax.f32 v36, v5;
	(erf) = vrcp.f32 v40  }
0xa6: {  	v22 =	vmul.f32 v22, v31;
	v27 =	vadd.s32 $0xFFFFFF81, v27;
	v49 =	vmax.f32 v36, v6;
	v47 =	vpop (erf)  }
0xa7: {  	v17 =	vmul.f32 v17, v26;
	v48 =	vmul.f32 v47, v33;
	v33 =	vmax.f32 v49, v7  }
0xa8: {  	v20 =	vadd.s32 $0xFFFFFF81, v20;
	v14 =	vmul.f32 v14, v18;
	v33 =	vmax.f32 v33, v8  }
0xa9: {  	v37 =	vcvt.s32.f32 v37;
	v45 =	vadd.f32 $4.000000060e-01, v44;
	v33 =	vmax.f32 v33, v9  }
0xaa: {  	v35 =	vadd.f32 $2.000000000e+00, v35;
	v51 =	vmul.f32 v48, v48;
	v33 =	vmax.f32 v33, v10  }
0xab: {  	v16 =	vadd.s32 $0xFFFFFF81, v16;
	v37 =	vmul.f32 $6.931471820e-01, v37;
	v38 =	vmul.f32 v45, v32;
	(xrf0) =	vmax.scan.msk.f32 $0xffff, v33  }
0xac: {  	v30 =	vadd.f32 $-1.000000000e+00, v30;
	v24 =	vmul.f32 v35, v24;
	v52 =	vmul.f32 $2.857142980e-01, v51  }
0xad: {  	v55 =	vcvt.s32.f32 v27;
	v20 =	vcvt.s32.f32 v20;
	v50 =	vadd.f32 $6.666666860e-01, v38  }
0xae: {  	v16 =	vcvt.s32.f32 v16;
	v24 =	vadd.f32 v24, v37;
	v56 =	vadd.f32 $4.000000060e-01, v52;
	v53 =	vpop (erf)  }
0xaf: {  	v23 =	vadd.f32 v28, v23;
	v54 =	vmul.f32 v50, v32;
	v30 =	vmul.f32 v53, v30  }
0xb0: {  	v19 =	vadd.f32 v19, v34;
	v15 =	vmul.f32 v24, v15;
	v27 =	vmul.f32 v56, v51  }
0xb1: {  	v31 =	vmul.f32 v22, v31;
	v32 =	vadd.f32 $2.000000000e+00, v54;
	v57 =	vmul.f32 v30, v30;
	v60, _, _ =	vpop (xrf0)  }
0xb2: {  	v15 =	vadd.f32 v15, v19;
	v19 =	vadd.f32 $6.666666860e-01, v27;
	v27 =	vbroadcast v60, $0xF  }
0xb3: {  	v22 =	vadd.f32 v22, v29;
	v24 =	vmul.f32 $6.931471820e-01, v55;
	v58 =	vmul.f32 $2.857142980e-01, v57  }
0xb4: {  	v25 =	vmul.f32 v32, v25;
	v19 =	vmul.f32 v19, v51;
	vm3 =	veq.f32 v3, v27  }
0xb5: {  	v59 =	vadd.f32 $4.000000060e-01, v58;
	v61 =	vsel vm3, $0xBF800000, v3;
	vm3 =	veq.f32 v4, v27  }
0xb6: {  	v24 =	vadd.f32 v25, v24;
	v19 =	vadd.f32 $2.000000000e+00, v19;
	v62 =	vsel vm3, $0xBF800000, v4  }
0xb7: {  	vm3 =	veq.f32 v5, v27;
	v3 =	vmax.f32 v61, $-1.000000000e+00;
	v25 =	vmul.f32 v59, v57  }
0xb8: {  	v63 =	vsel vm3, $0xBF800000, v5;
	vm3 =	veq.f32 v6, v27;
	v3 =	vmax.f32 v3, v62  }
0xb9: {  	v6 =	vsel vm3, $0xBF800000, v6;
	vm3 =	veq.f32 v7, v27;
	v3 =	vmax.f32 v3, v63  }
0xba: {  	v25 =	vadd.f32 $6.666666860e-01, v25;
	v7 =	vsel vm3, $0xBF800000, v7;
	vm3 =	veq.f32 v8, v27  }
0xbb: {  	v3 =	vmax.f32 v3, v6;
	v4 =	vsel vm3, $0xBF800000, v8;
	vm3 =	veq.f32 v9, v27  }
0xbc: {  	v19 =	vmul.f32 v19, v48;
	v5 =	vmax.f32 v3, v7;
	v3 =	vsel vm3, $0xBF800000, v9  }
0xbd: {  	vm3 =	veq.f32 v10, v27;
	v8 =	vmax.f32 v5, v4;
	v9 =	vmul.f32 v25, v57  }
0xbe: {  	v5 =	vsel vm3, $0xBF800000, v10;
	v8 =	vmax.f32 v8, v3;
	v10 =	vmul.f32 $6.931471820e-01, v20  }
0xbf: {  	v23 =	vadd.f32 v31, v23;
	v22 =	vadd.f32 v17, v22;
	v8 =	vmax.f32 v8, v5  }
0xc0: {  	v17 =	vmul.f32 v17, v26;
	v9 =	vadd.f32 $2.000000000e+00, v9;
	(xrf0) =	vmax.scan.msk.f32 $0xffff, v8;
	v10 =	vadd.f32 v19, v10  }
0xc1: {  	v16 =	vmul.f32 $6.931471820e-01, v16;
	v8 =	vmul.f32 v24, v11  }
0xc2: {  	v11 =	vadd.f32 v17, v23;
	v9 =	vmul.f32 v9, v30;
	v10 =	vmul.f32 v10, v12  }
0xc3: {  	v17 =	vmul.f32 v21, v21;
	v8 =	vadd.f32 v8, v15;
	v15 =	vmul.f32 v14, v18  }
0xc4: {  	v14 =	vadd.f32 v14, v22;
	v9 =	vadd.f32 v9, v16  }
0xc5: {  	v12 =	vmul.f32 v17, v21;
	v11 =	vadd.f32 v15, v11  }
0xc6: {  	s17 =	simm.s32 $0x1;
	v8 =	vadd.f32 v10, v8;
	v14 =	vadd.f32 v17, v14;
	v9 =	vmul.f32 v9, v13;
	v10, _, _ =	vpop (xrf0)  }
0xc7: {  	v13 =	vadd.f32 v12, v11;
	v12 =	vbroadcast v10, $0xF;
	v10 =	vmov s17  }
0xc8: {  	v15 =	vadd.f32 v9, v8;
	v9 =	vnsel vm0, $0x0, v27;
	vm3 =	veq.s32 v10, v1  }
0xc9: {  	vm4 =	veq.f32 v61, v12;
	vm5 =	veq.f32 v62, v12;
	vm6 =	veq.f32 v63, v12  }
0xca: {  	v11 =	vsel vm4, $0xBF800000, v61;
	v10 =	vsel vm5, $0xBF800000, v62;
	v8 =	vsel vm6, $0xBF800000, v63  }
0xcb: {  	s18 =	simm.s32 $0x3;
	s17 =	simm.s32 $0x2;
	vm4 =	veq.f32 v6, v12;
	vm5 =	veq.f32 v7, v12;
	v16 =	vmax.f32 v11, $-1.000000000e+00  }
.LBB2_10:
0xcc: {  	p0 =	sne.s32 s18, $0x4;
	v16 =	vmax.f32 v16, v10;
	v6 =	vsel vm4, $0xBF800000, v6;
	v7 =	vsel vm5, $0xBF800000, v7  }
0xcd: {  	vm4 =	veq.f32 v4, v12;
	vm5 =	veq.f32 v3, v12;
	v16 =	vmax.f32 v16, v8  }
0xce: {  	v4 =	vsel vm4, $0xBF800000, v4;
	v3 =	vsel vm5, $0xBF800000, v3;
	v16 =	vmax.f32 v16, v6  }
0xcf: {  	v9 =	vsel vm3, v12, v9;
	vm4 =	veq.f32 v5, v12;
	v16 =	vmax.f32 v16, v7  }
0xd0: {  	v5 =	vsel vm4, $0xBF800000, v5;
	v12 =	vmax.f32 v16, v4  }
0xd1: {  	v12 =	vmax.f32 v12, v3  }
0xd2: {  	v12 =	vmax.f32 v12, v5  }
0xd3: {  	(xrf0) =	vmax.scan.msk.f32 $0xffff, v12;
	_ =	sdelay $0x5  }
0xd4: {  	v12, _, _ =	vpop (xrf0)  }
.Ltmp4:
0xd5: {  	v16 =	vmov s17;
	s17 =	smov.u32 s18;
	v12 =	vbroadcast v12, $0xF;
	(pc) =	sbr.rel @p0 .LBB2_10-.Ltmp4, $4  }
0xd6: {  	vm3 =	veq.s32 v16, v1  }
0xd7: {  	vm4 =	veq.f32 v11, v12;
	vm5 =	veq.f32 v10, v12;
	vm6 =	veq.f32 v8, v12  }
0xd8: {  	v11 =	vsel vm4, $0xBF800000, v11;
	v10 =	vsel vm5, $0xBF800000, v10;
	v8 =	vsel vm6, $0xBF800000, v8  }
0xd9: {  	s18 =	sadd.s32 $0x1, s18;
	vm4 =	veq.f32 v6, v12;
	vm5 =	veq.f32 v7, v12;
	v16 =	vmax.f32 v11, $-1.000000000e+00  }
0xda: {  	(xrf2) =	vadd.scan.msk.f32 $0xffff, v15  }
0xdb: {  	(xrf2) =	vadd.scan.msk.f32 $0xffff, v14;
	_ =	sdelay $0x8  }
0xdc: {  	v47, _, _ =	vpop (xrf2)  }
0xdd: {  	(v2sf) =	vpush v47, $0xF;
	v48, _, _ =	vpop (xrf2)  }
0xde: {  	(v2sf) =	vpush v48, $0xF;
	_ =	sdelay $0xd  }
0xdf: {  	s19 =	spop (v2sf)  }
0xe0: {  	s18 =	spop (v2sf)  }
0xe1: {  	s18 =	smul.f32 $7.874015710e-03, s18;
	_ =	sdelay $0x1  }
0xe2: {  	v49 =	vmov s18  }
0xe3: {  	v14 =	vshra.s32 v49, $0x1  }
0xe4: {  	v14 =	vadd.s32 $0x1FBD1DF5, v14  }
0xe5: {  	(erf) = vrcp.f32 v14;
	_ =	sdelay $0x8  }
0xe6: {  	v50 =	vpop (erf)  }
0xe7: {  	v15 =	vmul.f32 s18, v50;
	_ =	sdelay $0x1  }
0xe8: {  	v14 =	vadd.f32 v14, v15;
	_ =	sdelay $0x1  }
0xe9: {  	v14 =	vmul.f32 $5.000000000e-01, v14;
	_ =	sdelay $0x1  }
0xea: {  	(erf) = vrcp.f32 v14;
	_ =	sdelay $0x8  }
0xeb: {  	v51 =	vpop (erf)  }
0xec: {  	v15 =	vmul.f32 s18, v51;
	_ =	sdelay $0x1  }
0xed: {  	v14 =	vadd.f32 v15, v14;
	_ =	sdelay $0x1  }
0xee: {  	v14 =	vmul.f32 $5.000000000e-01, v14;
	_ =	sdelay $0x1  }
0xef: {  	(erf) = vrcp.f32 v14;
	_ =	sdelay $0x2  }
0xf0: {  	(xrf2) =	vadd.scan.msk.f32 $0xffff, v13;
	_ =	sdelay $0x5  }
0xf1: {  	v52 =	vmax.f32 v16, v10;
	v6 =	vsel vm4, $0xBF800000, v6;
	v7 =	vsel vm5, $0xBF800000, v7;
	v53 =	vpop (erf)  }
0xf2: {  	vm14 =	veq.f32 v4, v12;
	v13 =	vmax.f32 v52, v8;
	v15 =	vmul.f32 s18, v53  }
0xf3: {  	vm15 =	veq.f32 v3, v12;
	vm8 =	veq.f32 v5, v12;
	v13 =	vmax.f32 v13, v6  }
0xf4: {  	v4 =	vsel vm14, $0xBF800000, v4;
	v13 =	vmax.f32 v13, v7;
	v14 =	vadd.f32 v15, v14  }
0xf5: {  	v3 =	vsel vm15, $0xBF800000, v3;
	v5 =	vsel vm8, $0xBF800000, v5;
	v13 =	vmax.f32 v13, v4;
	v54, _, _ =	vpop (xrf2)  }
0xf6: {  	v13 =	vmax.f32 v13, v3;
	(v2sf) =	vpush v54, $0xF;
	v14 =	vmul.f32 $5.000000000e-01, v14  }
0xf7: {  	v13 =	vmax.f32 v13, v5  }
0xf8: {  	(xrf0) =	vmax.scan.msk.f32 $0xffff, v13;
	v55 =	vmul.f32 v14, v14;
	_ =	sdelay $0x1  }
0xf9: {  	v13 =	vmul.f32 v55, v14;
	_ =	sdelay $0x1  }
0xfa: {  	v13 =	vadd.f32 $1.000000010e-10, v13;
	_ =	sdelay $0x1  }
0xfb: {  	v56, _, _ =	vpop (xrf0);
	(erf) = vrcp.f32 v13  }
0xfc: {  	v57 =	vbroadcast v56, $0xF  }
0xfd: {  	v9 =	vsel vm3, v12, v9;
	v58 =	vmov s17  }
0xfe: {  	vm12 =	veq.s32 v58, v1;
	vm14 =	veq.s32 v1, $0x5;
	vm9 =	veq.f32 v11, v57  }
0xff: {  	vm3 =	veq.f32 v10, v57;
	vm10 =	veq.f32 v8, v57;
	v11 =	vsel vm9, $0xBF800000, v11  }
0x100: {  	vm11 =	veq.f32 v7, v57;
	vm13 =	veq.f32 v3, v57;
	v10 =	vsel vm3, $0xBF800000, v10;
	[tilespmem:$0x4980] =	vst v11  }
0x101: {  	v59 =	vsel vm12, v57, v9;
	vm15 =	veq.f32 v5, v57;
	v8 =	vsel vm10, $0xBF800000, v8;
	[tilespmem:$0x4990] =	vst v10  }
0x102: {  	vm3 =	veq.f32 v6, v57;
	v7 =	vsel vm11, $0xBF800000, v7;
	v3 =	vsel vm13, $0xBF800000, v3;
	[tilespmem:$0x49A0] =	vst v8;
	s30 =	ssub.f32 $0.0e+00, s19;
	s31 =	spop (v2sf)  }
0x103: {  	v5 =	vsel vm15, $0xBF800000, v5;
	v6 =	vsel vm3, $0xBF800000, v6;
	vm3 =	veq.f32 v4, v57;
	[tilespmem:$0x49C0] =	vst v7;
	s19 =	smul.f32 $7.812500000e-03, s31  }
0x104: {  	[tilespmem:$0x49E0] =	vst v3;
	v4 =	vsel vm3, $0xBF800000, v4;
	vm3 =	veq.s32 v1, $0x7;
	v61 =	vsel vm14, s30, v59;
	v60 =	vpop (erf)  }
0x105: {  	[tilespmem:$0x49F0] =	vst v5;
	v63 =	vsel vm3, s16, v61;
	v62 =	vmul.f32 s19, v60  }
0x106: {  	s15 =	sadd.s32 $0x1, s15;
	[tilespmem:$0x49B0] =	vst v6;
	v3 =	vsel vm1, s18, v63  }
0x107: {  	p0 =	sne.s32 s15, s6;
	[tilespmem:$0x49D0] =	vst v4;
	v3 =	vsel vm2, v3, v62  }
.Ltmp5:
0x108: {  	[tilespmem:$0x4A00] =	vst v3;
	(pc) =	sbr.rel @p0 .LBB2_1-.Ltmp5, $4  }
0x109: {  	[hbm4b:s5+s4] =	stream.linear.scatter [tilespmem:s14], [sflag:$0x2], $0x80, $0x38;
	[tilespmem:$0x4A80] =	vst v63  }
0x10a: {  	_ =	swait.ge [sflag:s7], $0x80  }
0x10b: {  	[sflag:s7] =	ssyncset.done $0x0  }
0x10c: {  	[sflag:s7] =	ssyncadd.s32 $0xFFFFFF80  }
0x10d: {  	_ =	sfence.sel $0x180000  }
0x10e: {  	[bflag:$0x0] =	sbarrier.arrive $0xFFFF  }
0x10f: {  	p0 =	sne.s32 s3, $0x0;
	_ =	strace $0x90000047  }
0x110: {  	s0 =	sadd.s32 @!p0 $0x100000, s0;
	[bflag:$0x2] =	sbarrier.arrive $0xFFFF  }
0x111: {  	[sflag:s0] =	ssyncadd.tile.s32 @!p0 $0x1;
	_ =	shalt  }
.Lfunc_end2:
_tile_overlayer_lowered:
.L_overlay_start_2:
0x112: {  	(tag) =	ssettag $0x2  }
0x113: {  	s0 =	rddreg [dreg:$0x0];
	s2 =	stileid.u32  }
0x114: {  	s1 =	rddreg [dreg:$0x1];
	p0 =	sne.s32 s2, $0x0  }
0x115: {  	s3 =	rddreg [dreg:$0x2];
	[bflag:$0x3] =	sbarrier.arrive $0xFFFF;
	s2 =	simm.s32 @!p0 $0x1C02  }
0x116: {  	[timem:s3], [sflag:s2] =	dma.local @!p0 [hbm:s0], s1  }
0x117: {  	s0 =	simm.s32 @!p0 $0x2  }
0x118: {  	_ =	swait.ge @!p0 [sflag:s0], s1  }
0x119: {  	s1 =	ssub.s32 @!p0 $0x0, s1;
	[sflag:s0] =	ssyncset.done @!p0 $0x0  }
0x11a: {  	[sflag:s0] =	ssyncadd.s32 @!p0 s1  }
0x11b: {  	[bflag:$0x3] =	sbarrier.arrive $0xFFFF  }
0x11c: {  	_ =	shalt  }

</sc_bundles>
